<compile_context>
chip_gen: v7x
topology: tpu7x:2x2x1
jax: 0.10.2.dev20260603
libtpu: 0.0.44.dev20260713+nightly
codegen_flags: <defaults>
</compile_context>

<pallas_src>
import functools

import jax
import jax.numpy as jnp
from jax import lax
from jax.experimental import pallas as pl
from jax.experimental.pallas import tpu as pltpu
from jax.experimental.pallas import tpu_sc as plsc

_NGRAM_SIZES = (2, 3, 4)
_VOCAB = 500000
_DIM = 64
_PRIME = 31

_B = 8
_T = 512
_NW = 32
_CHUNK = (_B * _T) // _NW
_CHUNKS_PER_ROW = _T // _CHUNK
_PAD = 8
_L = 16


def _body(byte_hbm, emb2_hbm, emb3_hbm, emb4_hbm, out_hbm,
          bytes_v, idx2_v, idx3_v, idx4_v, e2_v, e3_v, e4_v, out_v, sem):
    nc = 2
    wid = lax.axis_index("s") * nc + lax.axis_index("c")
    b = wid // _CHUNKS_PER_ROW
    p0 = (wid % _CHUNKS_PER_ROW) * _CHUNK

    bytes_v[pl.ds(0, _L)] = jnp.zeros((_L,), jnp.int32)
    pltpu.sync_copy(byte_hbm.at[pl.ds(b * _T, _T)], bytes_v.at[pl.ds(_PAD, _T)])

    for g in range(_CHUNK // _L):
        t0 = p0 + g * _L
        v0 = bytes_v[pl.ds(_PAD + t0, _L)]
        v1 = bytes_v[pl.ds(_PAD + t0 - 1, _L)]
        v2 = bytes_v[pl.ds(_PAD + t0 - 2, _L)]
        v3 = bytes_v[pl.ds(_PAD + t0 - 3, _L)]
        h2 = v1 * _PRIME + v0
        h3 = v2 * (_PRIME * _PRIME) + h2
        h4 = lax.rem(v3 * (_PRIME * _PRIME * _PRIME) + h3, _VOCAB)
        idx2_v[pl.ds(g * _L, _L)] = h2
        idx3_v[pl.ds(g * _L, _L)] = h3
        idx4_v[pl.ds(g * _L, _L)] = h4

    c2 = pltpu.async_copy(emb2_hbm.at[idx2_v], e2_v, sem)
    c3 = pltpu.async_copy(emb3_hbm.at[idx3_v], e3_v, sem)
    c4 = pltpu.async_copy(emb4_hbm.at[idx4_v], e4_v, sem)
    c2.wait()
    c3.wait()
    c4.wait()

    def acc_body(i, _):
        for c in range(_DIM // _L):
            sl = pl.ds(c * _L, _L)
            s = e2_v[i, sl] + e3_v[i, sl] + e4_v[i, sl]
            out_v[i, sl] = s * 0.25
        return 0

    lax.fori_loop(0, _CHUNK, acc_body, 0)

    @pl.when(p0 == 0)
    def _fixup():
        for c in range(_DIM // _L):
            sl = pl.ds(c * _L, _L)
            out_v[0, sl] = jnp.zeros((_L,), jnp.float32)
            out_v[1, sl] = e2_v[1, sl] * 0.25
            out_v[2, sl] = (e2_v[2, sl] + e3_v[2, sl]) * 0.25

    pltpu.sync_copy(out_v, out_hbm.at[b, pl.ds(p0, _CHUNK)])


@jax.jit
def kernel(byte_ids, emb_2, emb_3, emb_4):
    mesh = plsc.VectorSubcoreMesh(core_axis_name="c", subcore_axis_name="s")
    f = functools.partial(
        pl.kernel,
        mesh=mesh,
        compiler_params=pltpu.CompilerParams(use_tc_tiling_on_sc=False),
        out_type=jax.ShapeDtypeStruct((_B, _T, _DIM), jnp.float32),
        scratch_types=[
            pltpu.VMEM((_PAD + _T,), jnp.int32),
            pltpu.VMEM((_CHUNK,), jnp.int32),
            pltpu.VMEM((_CHUNK,), jnp.int32),
            pltpu.VMEM((_CHUNK,), jnp.int32),
            pltpu.VMEM((_CHUNK, _DIM), jnp.float32),
            pltpu.VMEM((_CHUNK, _DIM), jnp.float32),
            pltpu.VMEM((_CHUNK, _DIM), jnp.float32),
            pltpu.VMEM((_CHUNK, _DIM), jnp.float32),
            pltpu.SemaphoreType.DMA,
        ],
    )(_body)
    return f(byte_ids.reshape(-1), emb_2, emb_3, emb_4)

# --- scband reference (transcript-rebuilt; emitter-appended) ---
"""Pipeline reference for scband-hash-ngram-embeddings-12549894439058 (READ-ONLY COPY).

The authoritative reference and input builder live on the scoring server;
editing this copy changes nothing except your own understanding.
"""

import jax, jax.numpy as jnp
import numpy as np

NGRAM_SIZES = [2, 3, 4]
VOCAB = 500000
DIM = 64
PRIME = 31


def setup_inputs(seed: int = 0) -> dict:
    key = jax.random.key(seed)
    k0, k1, k2, k3 = jax.random.split(key, 4)
    byte_ids = jax.random.randint(k0, (8, 512), 0, 256).astype(jnp.int32)
    emb_2 = jax.random.normal(k1, (VOCAB, DIM), dtype=jnp.float32)
    emb_3 = jax.random.normal(k2, (VOCAB, DIM), dtype=jnp.float32)
    emb_4 = jax.random.normal(k3, (VOCAB, DIM), dtype=jnp.float32)
    return {"byte_ids": byte_ids, "emb_2": emb_2, "emb_3": emb_3, "emb_4": emb_4}


def _ngram_hash(byte_ids, n):
    # rolling polynomial hash h = (h*31 + b) % VOCAB over each length-n window
    B, T = byte_ids.shape
    W = T - n + 1
    h = jnp.zeros((B, W), dtype=jnp.int32)
    for i in range(n):
        b = byte_ids[:, i:i + W].astype(jnp.int32)
        h = (h * PRIME + b) % VOCAB
    return h


def reference(byte_ids, emb_2, emb_3, emb_4):
    B, T = byte_ids.shape
    tables = {2: emb_2, 3: emb_3, 4: emb_4}
    base = jnp.zeros((B, T, DIM), dtype=jnp.float32)
    for n in NGRAM_SIZES:
        h = _ngram_hash(byte_ids, n)              # [B, T-n+1]
        embeds = jnp.take(tables[n], h, axis=0)   # [B, T-n+1, DIM]
        # positions t < n-1 have no complete n-gram -> zeros (matches torch loop)
        pad = jnp.zeros((B, n - 1, DIM), dtype=jnp.float32)
        base = base + jnp.concatenate([pad, embeds], axis=1)
    return base / (len(NGRAM_SIZES) + 1)

if __name__ == "__main__":
    import jax
    _d = setup_inputs()
    print(jax.jit(kernel)(*tuple(_d.values())))

</pallas_src>

<mosaic_0001>
#map = affine_map<(d0, d1) -> (0)>
#map1 = affine_map<(d0, d1) -> (0, 0)>
#map2 = affine_map<(d0, d1) -> (0, 0, 0)>
module attributes {stable_mosaic.version = 14 : i64} {
  func.func @_body(%arg0: i32, %arg1: i32, %arg2: memref<4096xi32, #tpu.memory_space<hbm>>, %arg3: memref<500000x64xf32, #tpu.memory_space<hbm>>, %arg4: memref<500000x64xf32, #tpu.memory_space<hbm>>, %arg5: memref<500000x64xf32, #tpu.memory_space<hbm>>, %arg6: memref<8x512x64xf32, #tpu.memory_space<hbm>>, %arg7: memref<520xi32, #tpu.memory_space<vmem>>, %arg8: memref<128xi32, #tpu.memory_space<vmem>>, %arg9: memref<128xi32, #tpu.memory_space<vmem>>, %arg10: memref<128xi32, #tpu.memory_space<vmem>>, %arg11: memref<128x64xf32, #tpu.memory_space<vmem>>, %arg12: memref<128x64xf32, #tpu.memory_space<vmem>>, %arg13: memref<128x64xf32, #tpu.memory_space<vmem>>, %arg14: memref<128x64xf32, #tpu.memory_space<vmem>>, %arg15: memref<!tpu.dma_semaphore, #tpu.memory_space<semaphore_mem>>) attributes {dimension_semantics = [#tpu.dimension_semantics<core_parallel>, #tpu.dimension_semantics<subcore_parallel>], iteration_bounds = array<i64: 2, 16>, scalar_prefetch = 0 : i64, scratch_operands = 9 : i64, tpu.core_type = #tpu.core_type<sc_vector_subcore>, window_params = [{transform_indices = #map}, {transform_indices = #map1}, {transform_indices = #map1}, {transform_indices = #map1}, {transform_indices = #map2}]} {
    %mul3A = arith.constant 2 : i32
    %mul3A_0 = arith.muli %arg1, %mul3A : i32
    %add3A = arith.addi %mul3A_0, %arg0 : i32
    %jit3A = arith.constant 4 : i32
    %div3A = arith.divsi %add3A, %jit3A : i32
    %sign3A = arith.constant 0 : i32
    %sign3A_1 = arith.cmpi sgt, %add3A, %sign3A : i32
    %sign3A_2 = arith.extui %sign3A_1 : i1 to i32
    %sign3A_3 = arith.constant 0 : i32
    %sign3A_4 = arith.cmpi slt, %add3A, %sign3A_3 : i32
    %sign3A_5 = arith.extui %sign3A_4 : i1 to i32
    %sign3A_6 = arith.subi %sign3A_2, %sign3A_5 : i32
    %sign3A_7 = arith.constant 0 : i32
    %sign3A_8 = arith.cmpi sgt, %jit3A, %sign3A_7 : i32
    %sign3A_9 = arith.extui %sign3A_8 : i1 to i32
    %sign3A_10 = arith.constant 0 : i32
    %sign3A_11 = arith.cmpi slt, %jit3A, %sign3A_10 : i32
    %sign3A_12 = arith.extui %sign3A_11 : i1 to i32
    %sign3A_13 = arith.subi %sign3A_9, %sign3A_12 : i32
    %ne3A = arith.cmpi ne, %sign3A_6, %sign3A_13 : i32
    %rem3A = arith.remsi %add3A, %jit3A : i32
    %ne3A_14 = arith.constant 0 : i32
    %ne3A_15 = arith.cmpi ne, %rem3A, %ne3A_14 : i32
    %and3A = arith.andi %ne3A, %ne3A_15 : i1
    %sub3A = arith.constant 1 : i32
    %sub3A_16 = arith.subi %div3A, %sub3A : i32
    %select_n3A = arith.select %and3A, %sub3A_16, %div3A : i32
    %jit3A_17 = arith.constant 4 : i32
    %eq3A = arith.constant 0 : i32
    %eq3A_18 = arith.cmpi eq, %jit3A_17, %eq3A : i32
    %jit3A_19 = arith.constant 1 : i32
    %select_n3A_20 = arith.select %eq3A_18, %jit3A_19, %jit3A_17 : i32
    %rem3A_21 = arith.remsi %add3A, %select_n3A_20 : i32
    %ne3A_22 = arith.constant 0 : i32
    %ne3A_23 = arith.cmpi ne, %rem3A_21, %ne3A_22 : i32
    %lt3A = arith.constant 0 : i32
    %lt3A_24 = arith.cmpi slt, %rem3A_21, %lt3A : i32
    %lt3A_25 = arith.constant 0 : i32
    %lt3A_26 = arith.cmpi slt, %select_n3A_20, %lt3A_25 : i32
    %ne3A_27 = arith.xori %lt3A_24, %lt3A_26 : i1
    %and3A_28 = arith.andi %ne3A_27, %ne3A_23 : i1
    %add3A_29 = arith.addi %rem3A_21, %select_n3A_20 : i32
    %select_n3A_30 = arith.select %and3A_28, %add3A_29, %rem3A_21 : i32
    %mul3A_31 = arith.constant 128 : i32
    %mul3A_32 = arith.muli %select_n3A_30, %mul3A_31 : i32
    %broadcast_in_dim3A = arith.constant 0 : i32
    %broadcast_in_dim3A_33 = vector.broadcast %broadcast_in_dim3A : i32 to vector<16xi32>
    %swap3A = arith.constant 0 : index
    %swap3A_34 = tpu.vector_load %arg7[%swap3A] {strides = array<i32>} : memref<520xi32, #tpu.memory_space<vmem>>, vector<16xi32>,
    %swap3A_35 = vector.shape_cast %swap3A_34 : vector<16xi32> to vector<16xi32>
    %swap3A_36 = vector.shape_cast %broadcast_in_dim3A_33 : vector<16xi32> to vector<16xi32>
    tpu.vector_store %arg7[%swap3A], %swap3A_36 {strides = array<i32>} : memref<520xi32, #tpu.memory_space<vmem>>, vector<16xi32>,
    %mul3A_37 = arith.constant 512 : i32
    %mul3A_38 = arith.muli %select_n3A, %mul3A_37 : i32
    "tpu.region"() ({
      %run_scoped3A = tpu.sem_alloc : memref<!tpu.dma_semaphore, #tpu.memory_space<semaphore_mem>>
      %dma_start3A_503 = arith.constant 8 : i32
      %dma_start3A_504 = tpu.memref_slice %arg7[%dma_start3A_503] : memref<520xi32, #tpu.memory_space<vmem>> -> memref<512xi32, #tpu.memory_space<vmem>>
      %dma_start3A_505 = tpu.memref_slice %arg2[%mul3A_38] : memref<4096xi32, #tpu.memory_space<hbm>> -> memref<512xi32, #tpu.memory_space<hbm>>
      %dma_start3A_506 = arith.constant 8 : i32
      %dma_start3A_507 = tpu.memref_slice %arg7[%dma_start3A_506] : memref<520xi32, #tpu.memory_space<vmem>> -> memref<512xi32, #tpu.memory_space<vmem>>
      %dma_start3A_508 = tpu.memref_slice %arg2[%mul3A_38] : memref<4096xi32, #tpu.memory_space<hbm>> -> memref<512xi32, #tpu.memory_space<hbm>>
      tpu.enqueue_dma source(%dma_start3A_508 : memref<512xi32, #tpu.memory_space<hbm>>) target(%dma_start3A_507 : memref<512xi32, #tpu.memory_space<vmem>>) target_semaphore(%run_scoped3A : memref<!tpu.dma_semaphore, #tpu.memory_space<semaphore_mem>>)
      %dma_wait3A_509 = arith.constant 8 : i32
      %dma_wait3A_510 = tpu.memref_slice %arg7[%dma_wait3A_509] : memref<520xi32, #tpu.memory_space<vmem>> -> memref<512xi32, #tpu.memory_space<vmem>>
      %dma_wait3A_511 = tpu.memref_slice %arg2[%mul3A_38] : memref<4096xi32, #tpu.memory_space<hbm>> -> memref<512xi32, #tpu.memory_space<hbm>>
      %dma_wait3A_512 = arith.constant 8 : i32
      %dma_wait3A_513 = tpu.memref_slice %arg7[%dma_wait3A_512] : memref<520xi32, #tpu.memory_space<vmem>> -> memref<512xi32, #tpu.memory_space<vmem>>
      %dma_wait3A_514 = tpu.memref_slice %arg2[%mul3A_38] : memref<4096xi32, #tpu.memory_space<hbm>> -> memref<512xi32, #tpu.memory_space<hbm>>
      tpu.wait_dma2 semaphore(%run_scoped3A : memref<!tpu.dma_semaphore, #tpu.memory_space<semaphore_mem>>) src(%dma_wait3A_514 : memref<512xi32, #tpu.memory_space<hbm>>) dst(%dma_wait3A_513 : memref<512xi32, #tpu.memory_space<vmem>>)
      tpu.yield
    }) : () -> ()
    %add3A_39 = arith.constant 0 : i32
    %add3A_40 = arith.addi %mul3A_32, %add3A_39 : i32
    %add3A_41 = arith.constant 8 : i32
    %add3A_42 = arith.addi %add3A_41, %add3A_40 : i32
    %get3A = arith.index_cast %add3A_42 : i32 to index
    %get3A_43 = tpu.vector_load %arg7[%get3A] {strides = array<i32>} : memref<520xi32, #tpu.memory_space<vmem>>, vector<16xi32>,
    %get3A_44 = vector.shape_cast %get3A_43 : vector<16xi32> to vector<16xi32>
    %add3A_45 = arith.constant 8 : i32
    %add3A_46 = arith.addi %add3A_45, %add3A_40 : i32
    %sub3A_47 = arith.constant 1 : i32
    %sub3A_48 = arith.subi %add3A_46, %sub3A_47 : i32
    %get3A_49 = arith.index_cast %sub3A_48 : i32 to index
    %get3A_50 = tpu.vector_load %arg7[%get3A_49] {strides = array<i32>} : memref<520xi32, #tpu.memory_space<vmem>>, vector<16xi32>,
    %get3A_51 = vector.shape_cast %get3A_50 : vector<16xi32> to vector<16xi32>
    %add3A_52 = arith.constant 8 : i32
    %add3A_53 = arith.addi %add3A_52, %add3A_40 : i32
    %sub3A_54 = arith.constant 2 : i32
    %sub3A_55 = arith.subi %add3A_53, %sub3A_54 : i32
    %get3A_56 = arith.index_cast %sub3A_55 : i32 to index
    %get3A_57 = tpu.vector_load %arg7[%get3A_56] {strides = array<i32>} : memref<520xi32, #tpu.memory_space<vmem>>, vector<16xi32>,
    %get3A_58 = vector.shape_cast %get3A_57 : vector<16xi32> to vector<16xi32>
    %add3A_59 = arith.constant 8 : i32
    %add3A_60 = arith.addi %add3A_59, %add3A_40 : i32
    %sub3A_61 = arith.constant 3 : i32
    %sub3A_62 = arith.subi %add3A_60, %sub3A_61 : i32
    %get3A_63 = arith.index_cast %sub3A_62 : i32 to index
    %get3A_64 = tpu.vector_load %arg7[%get3A_63] {strides = array<i32>} : memref<520xi32, #tpu.memory_space<vmem>>, vector<16xi32>,
    %get3A_65 = vector.shape_cast %get3A_64 : vector<16xi32> to vector<16xi32>
    %mul3A_66 = arith.constant 31 : i32
    %mul3A_67 = vector.broadcast %mul3A_66 : i32 to vector<16xi32>
    %mul3A_68 = arith.muli %get3A_51, %mul3A_67 : vector<16xi32>
    %add3A_69 = arith.addi %mul3A_68, %get3A_44 : vector<16xi32>
    %mul3A_70 = arith.constant 961 : i32
    %mul3A_71 = vector.broadcast %mul3A_70 : i32 to vector<16xi32>
    %mul3A_72 = arith.muli %get3A_58, %mul3A_71 : vector<16xi32>
    %add3A_73 = arith.addi %mul3A_72, %add3A_69 : vector<16xi32>
    %mul3A_74 = arith.constant 29791 : i32
    %mul3A_75 = vector.broadcast %mul3A_74 : i32 to vector<16xi32>
    %mul3A_76 = arith.muli %get3A_65, %mul3A_75 : vector<16xi32>
    %add3A_77 = arith.addi %mul3A_76, %add3A_73 : vector<16xi32>
    %rem3A_78 = arith.constant 500000 : i32
    %rem3A_79 = vector.broadcast %rem3A_78 : i32 to vector<16xi32>
    %rem3A_80 = arith.remsi %add3A_77, %rem3A_79 : vector<16xi32>
    %swap3A_81 = arith.constant 0 : index
    %swap3A_82 = tpu.vector_load %arg8[%swap3A_81] {strides = array<i32>} : memref<128xi32, #tpu.memory_space<vmem>>, vector<16xi32>,
    %swap3A_83 = vector.shape_cast %swap3A_82 : vector<16xi32> to vector<16xi32>
    %swap3A_84 = vector.shape_cast %add3A_69 : vector<16xi32> to vector<16xi32>
    tpu.vector_store %arg8[%swap3A_81], %swap3A_84 {strides = array<i32>} : memref<128xi32, #tpu.memory_space<vmem>>, vector<16xi32>,
    %swap3A_85 = arith.constant 0 : index
    %swap3A_86 = tpu.vector_load %arg9[%swap3A_85] {strides = array<i32>} : memref<128xi32, #tpu.memory_space<vmem>>, vector<16xi32>,
    %swap3A_87 = vector.shape_cast %swap3A_86 : vector<16xi32> to vector<16xi32>
    %swap3A_88 = vector.shape_cast %add3A_73 : vector<16xi32> to vector<16xi32>
    tpu.vector_store %arg9[%swap3A_85], %swap3A_88 {strides = array<i32>} : memref<128xi32, #tpu.memory_space<vmem>>, vector<16xi32>,
    %swap3A_89 = arith.constant 0 : index
    %swap3A_90 = tpu.vector_load %arg10[%swap3A_89] {strides = array<i32>} : memref<128xi32, #tpu.memory_space<vmem>>, vector<16xi32>,
    %swap3A_91 = vector.shape_cast %swap3A_90 : vector<16xi32> to vector<16xi32>
    %swap3A_92 = vector.shape_cast %rem3A_80 : vector<16xi32> to vector<16xi32>
    tpu.vector_store %arg10[%swap3A_89], %swap3A_92 {strides = array<i32>} : memref<128xi32, #tpu.memory_space<vmem>>, vector<16xi32>,
    %add3A_93 = arith.constant 16 : i32
    %add3A_94 = arith.addi %mul3A_32, %add3A_93 : i32
    %add3A_95 = arith.constant 8 : i32
    %add3A_96 = arith.addi %add3A_95, %add3A_94 : i32
    %get3A_97 = arith.index_cast %add3A_96 : i32 to index
    %get3A_98 = tpu.vector_load %arg7[%get3A_97] {strides = array<i32>} : memref<520xi32, #tpu.memory_space<vmem>>, vector<16xi32>,
    %get3A_99 = vector.shape_cast %get3A_98 : vector<16xi32> to vector<16xi32>
    %add3A_100 = arith.constant 8 : i32
    %add3A_101 = arith.addi %add3A_100, %add3A_94 : i32
    %sub3A_102 = arith.constant 1 : i32
    %sub3A_103 = arith.subi %add3A_101, %sub3A_102 : i32
    %get3A_104 = arith.index_cast %sub3A_103 : i32 to index
    %get3A_105 = tpu.vector_load %arg7[%get3A_104] {strides = array<i32>} : memref<520xi32, #tpu.memory_space<vmem>>, vector<16xi32>,
    %get3A_106 = vector.shape_cast %get3A_105 : vector<16xi32> to vector<16xi32>
    %add3A_107 = arith.constant 8 : i32
    %add3A_108 = arith.addi %add3A_107, %add3A_94 : i32
    %sub3A_109 = arith.constant 2 : i32
    %sub3A_110 = arith.subi %add3A_108, %sub3A_109 : i32
    %get3A_111 = arith.index_cast %sub3A_110 : i32 to index
    %get3A_112 = tpu.vector_load %arg7[%get3A_111] {strides = array<i32>} : memref<520xi32, #tpu.memory_space<vmem>>, vector<16xi32>,
    %get3A_113 = vector.shape_cast %get3A_112 : vector<16xi32> to vector<16xi32>
    %add3A_114 = arith.constant 8 : i32
    %add3A_115 = arith.addi %add3A_114, %add3A_94 : i32
    %sub3A_116 = arith.constant 3 : i32
    %sub3A_117 = arith.subi %add3A_115, %sub3A_116 : i32
    %get3A_118 = arith.index_cast %sub3A_117 : i32 to index
    %get3A_119 = tpu.vector_load %arg7[%get3A_118] {strides = array<i32>} : memref<520xi32, #tpu.memory_space<vmem>>, vector<16xi32>,
    %get3A_120 = vector.shape_cast %get3A_119 : vector<16xi32> to vector<16xi32>
    %mul3A_121 = arith.constant 31 : i32
    %mul3A_122 = vector.broadcast %mul3A_121 : i32 to vector<16xi32>
    %mul3A_123 = arith.muli %get3A_106, %mul3A_122 : vector<16xi32>
    %add3A_124 = arith.addi %mul3A_123, %get3A_99 : vector<16xi32>
    %mul3A_125 = arith.constant 961 : i32
    %mul3A_126 = vector.broadcast %mul3A_125 : i32 to vector<16xi32>
    %mul3A_127 = arith.muli %get3A_113, %mul3A_126 : vector<16xi32>
    %add3A_128 = arith.addi %mul3A_127, %add3A_124 : vector<16xi32>
    %mul3A_129 = arith.constant 29791 : i32
    %mul3A_130 = vector.broadcast %mul3A_129 : i32 to vector<16xi32>
    %mul3A_131 = arith.muli %get3A_120, %mul3A_130 : vector<16xi32>
    %add3A_132 = arith.addi %mul3A_131, %add3A_128 : vector<16xi32>
    %rem3A_133 = arith.constant 500000 : i32
    %rem3A_134 = vector.broadcast %rem3A_133 : i32 to vector<16xi32>
    %rem3A_135 = arith.remsi %add3A_132, %rem3A_134 : vector<16xi32>
    %swap3A_136 = arith.constant 16 : index
    %swap3A_137 = tpu.vector_load %arg8[%swap3A_136] {strides = array<i32>} : memref<128xi32, #tpu.memory_space<vmem>>, vector<16xi32>,
    %swap3A_138 = vector.shape_cast %swap3A_137 : vector<16xi32> to vector<16xi32>
    %swap3A_139 = vector.shape_cast %add3A_124 : vector<16xi32> to vector<16xi32>
    tpu.vector_store %arg8[%swap3A_136], %swap3A_139 {strides = array<i32>} : memref<128xi32, #tpu.memory_space<vmem>>, vector<16xi32>,
    %swap3A_140 = arith.constant 16 : index
    %swap3A_141 = tpu.vector_load %arg9[%swap3A_140] {strides = array<i32>} : memref<128xi32, #tpu.memory_space<vmem>>, vector<16xi32>,
    %swap3A_142 = vector.shape_cast %swap3A_141 : vector<16xi32> to vector<16xi32>
    %swap3A_143 = vector.shape_cast %add3A_128 : vector<16xi32> to vector<16xi32>
    tpu.vector_store %arg9[%swap3A_140], %swap3A_143 {strides = array<i32>} : memref<128xi32, #tpu.memory_space<vmem>>, vector<16xi32>,
    %swap3A_144 = arith.constant 16 : index
    %swap3A_145 = tpu.vector_load %arg10[%swap3A_144] {strides = array<i32>} : memref<128xi32, #tpu.memory_space<vmem>>, vector<16xi32>,
    %swap3A_146 = vector.shape_cast %swap3A_145 : vector<16xi32> to vector<16xi32>
    %swap3A_147 = vector.shape_cast %rem3A_135 : vector<16xi32> to vector<16xi32>
    tpu.vector_store %arg10[%swap3A_144], %swap3A_147 {strides = array<i32>} : memref<128xi32, #tpu.memory_space<vmem>>, vector<16xi32>,
    %add3A_148 = arith.constant 32 : i32
    %add3A_149 = arith.addi %mul3A_32, %add3A_148 : i32
    %add3A_150 = arith.constant 8 : i32
    %add3A_151 = arith.addi %add3A_150, %add3A_149 : i32
    %get3A_152 = arith.index_cast %add3A_151 : i32 to index
    %get3A_153 = tpu.vector_load %arg7[%get3A_152] {strides = array<i32>} : memref<520xi32, #tpu.memory_space<vmem>>, vector<16xi32>,
    %get3A_154 = vector.shape_cast %get3A_153 : vector<16xi32> to vector<16xi32>
    %add3A_155 = arith.constant 8 : i32
    %add3A_156 = arith.addi %add3A_155, %add3A_149 : i32
    %sub3A_157 = arith.constant 1 : i32
    %sub3A_158 = arith.subi %add3A_156, %sub3A_157 : i32
    %get3A_159 = arith.index_cast %sub3A_158 : i32 to index
    %get3A_160 = tpu.vector_load %arg7[%get3A_159] {strides = array<i32>} : memref<520xi32, #tpu.memory_space<vmem>>, vector<16xi32>,
    %get3A_161 = vector.shape_cast %get3A_160 : vector<16xi32> to vector<16xi32>
    %add3A_162 = arith.constant 8 : i32
    %add3A_163 = arith.addi %add3A_162, %add3A_149 : i32
    %sub3A_164 = arith.constant 2 : i32
    %sub3A_165 = arith.subi %add3A_163, %sub3A_164 : i32
    %get3A_166 = arith.index_cast %sub3A_165 : i32 to index
    %get3A_167 = tpu.vector_load %arg7[%get3A_166] {strides = array<i32>} : memref<520xi32, #tpu.memory_space<vmem>>, vector<16xi32>,
    %get3A_168 = vector.shape_cast %get3A_167 : vector<16xi32> to vector<16xi32>
    %add3A_169 = arith.constant 8 : i32
    %add3A_170 = arith.addi %add3A_169, %add3A_149 : i32
    %sub3A_171 = arith.constant 3 : i32
    %sub3A_172 = arith.subi %add3A_170, %sub3A_171 : i32
    %get3A_173 = arith.index_cast %sub3A_172 : i32 to index
    %get3A_174 = tpu.vector_load %arg7[%get3A_173] {strides = array<i32>} : memref<520xi32, #tpu.memory_space<vmem>>, vector<16xi32>,
    %get3A_175 = vector.shape_cast %get3A_174 : vector<16xi32> to vector<16xi32>
    %mul3A_176 = arith.constant 31 : i32
    %mul3A_177 = vector.broadcast %mul3A_176 : i32 to vector<16xi32>
    %mul3A_178 = arith.muli %get3A_161, %mul3A_177 : vector<16xi32>
    %add3A_179 = arith.addi %mul3A_178, %get3A_154 : vector<16xi32>
    %mul3A_180 = arith.constant 961 : i32
    %mul3A_181 = vector.broadcast %mul3A_180 : i32 to vector<16xi32>
    %mul3A_182 = arith.muli %get3A_168, %mul3A_181 : vector<16xi32>
    %add3A_183 = arith.addi %mul3A_182, %add3A_179 : vector<16xi32>
    %mul3A_184 = arith.constant 29791 : i32
    %mul3A_185 = vector.broadcast %mul3A_184 : i32 to vector<16xi32>
    %mul3A_186 = arith.muli %get3A_175, %mul3A_185 : vector<16xi32>
    %add3A_187 = arith.addi %mul3A_186, %add3A_183 : vector<16xi32>
    %rem3A_188 = arith.constant 500000 : i32
    %rem3A_189 = vector.broadcast %rem3A_188 : i32 to vector<16xi32>
    %rem3A_190 = arith.remsi %add3A_187, %rem3A_189 : vector<16xi32>
    %swap3A_191 = arith.constant 32 : index
    %swap3A_192 = tpu.vector_load %arg8[%swap3A_191] {strides = array<i32>} : memref<128xi32, #tpu.memory_space<vmem>>, vector<16xi32>,
    %swap3A_193 = vector.shape_cast %swap3A_192 : vector<16xi32> to vector<16xi32>
    %swap3A_194 = vector.shape_cast %add3A_179 : vector<16xi32> to vector<16xi32>
    tpu.vector_store %arg8[%swap3A_191], %swap3A_194 {strides = array<i32>} : memref<128xi32, #tpu.memory_space<vmem>>, vector<16xi32>,
    %swap3A_195 = arith.constant 32 : index
    %swap3A_196 = tpu.vector_load %arg9[%swap3A_195] {strides = array<i32>} : memref<128xi32, #tpu.memory_space<vmem>>, vector<16xi32>,
    %swap3A_197 = vector.shape_cast %swap3A_196 : vector<16xi32> to vector<16xi32>
    %swap3A_198 = vector.shape_cast %add3A_183 : vector<16xi32> to vector<16xi32>
    tpu.vector_store %arg9[%swap3A_195], %swap3A_198 {strides = array<i32>} : memref<128xi32, #tpu.memory_space<vmem>>, vector<16xi32>,
    %swap3A_199 = arith.constant 32 : index
    %swap3A_200 = tpu.vector_load %arg10[%swap3A_199] {strides = array<i32>} : memref<128xi32, #tpu.memory_space<vmem>>, vector<16xi32>,
    %swap3A_201 = vector.shape_cast %swap3A_200 : vector<16xi32> to vector<16xi32>
    %swap3A_202 = vector.shape_cast %rem3A_190 : vector<16xi32> to vector<16xi32>
    tpu.vector_store %arg10[%swap3A_199], %swap3A_202 {strides = array<i32>} : memref<128xi32, #tpu.memory_space<vmem>>, vector<16xi32>,
    %add3A_203 = arith.constant 48 : i32
    %add3A_204 = arith.addi %mul3A_32, %add3A_203 : i32
    %add3A_205 = arith.constant 8 : i32
    %add3A_206 = arith.addi %add3A_205, %add3A_204 : i32
    %get3A_207 = arith.index_cast %add3A_206 : i32 to index
    %get3A_208 = tpu.vector_load %arg7[%get3A_207] {strides = array<i32>} : memref<520xi32, #tpu.memory_space<vmem>>, vector<16xi32>,
    %get3A_209 = vector.shape_cast %get3A_208 : vector<16xi32> to vector<16xi32>
    %add3A_210 = arith.constant 8 : i32
    %add3A_211 = arith.addi %add3A_210, %add3A_204 : i32
    %sub3A_212 = arith.constant 1 : i32
    %sub3A_213 = arith.subi %add3A_211, %sub3A_212 : i32
    %get3A_214 = arith.index_cast %sub3A_213 : i32 to index
    %get3A_215 = tpu.vector_load %arg7[%get3A_214] {strides = array<i32>} : memref<520xi32, #tpu.memory_space<vmem>>, vector<16xi32>,
    %get3A_216 = vector.shape_cast %get3A_215 : vector<16xi32> to vector<16xi32>
    %add3A_217 = arith.constant 8 : i32
    %add3A_218 = arith.addi %add3A_217, %add3A_204 : i32
    %sub3A_219 = arith.constant 2 : i32
    %sub3A_220 = arith.subi %add3A_218, %sub3A_219 : i32
    %get3A_221 = arith.index_cast %sub3A_220 : i32 to index
    %get3A_222 = tpu.vector_load %arg7[%get3A_221] {strides = array<i32>} : memref<520xi32, #tpu.memory_space<vmem>>, vector<16xi32>,
    %get3A_223 = vector.shape_cast %get3A_222 : vector<16xi32> to vector<16xi32>
    %add3A_224 = arith.constant 8 : i32
    %add3A_225 = arith.addi %add3A_224, %add3A_204 : i32
    %sub3A_226 = arith.constant 3 : i32
    %sub3A_227 = arith.subi %add3A_225, %sub3A_226 : i32
    %get3A_228 = arith.index_cast %sub3A_227 : i32 to index
    %get3A_229 = tpu.vector_load %arg7[%get3A_228] {strides = array<i32>} : memref<520xi32, #tpu.memory_space<vmem>>, vector<16xi32>,
    %get3A_230 = vector.shape_cast %get3A_229 : vector<16xi32> to vector<16xi32>
    %mul3A_231 = arith.constant 31 : i32
    %mul3A_232 = vector.broadcast %mul3A_231 : i32 to vector<16xi32>
    %mul3A_233 = arith.muli %get3A_216, %mul3A_232 : vector<16xi32>
    %add3A_234 = arith.addi %mul3A_233, %get3A_209 : vector<16xi32>
    %mul3A_235 = arith.constant 961 : i32
    %mul3A_236 = vector.broadcast %mul3A_235 : i32 to vector<16xi32>
    %mul3A_237 = arith.muli %get3A_223, %mul3A_236 : vector<16xi32>
    %add3A_238 = arith.addi %mul3A_237, %add3A_234 : vector<16xi32>
    %mul3A_239 = arith.constant 29791 : i32
    %mul3A_240 = vector.broadcast %mul3A_239 : i32 to vector<16xi32>
    %mul3A_241 = arith.muli %get3A_230, %mul3A_240 : vector<16xi32>
    %add3A_242 = arith.addi %mul3A_241, %add3A_238 : vector<16xi32>
    %rem3A_243 = arith.constant 500000 : i32
    %rem3A_244 = vector.broadcast %rem3A_243 : i32 to vector<16xi32>
    %rem3A_245 = arith.remsi %add3A_242, %rem3A_244 : vector<16xi32>
    %swap3A_246 = arith.constant 48 : index
    %swap3A_247 = tpu.vector_load %arg8[%swap3A_246] {strides = array<i32>} : memref<128xi32, #tpu.memory_space<vmem>>, vector<16xi32>,
    %swap3A_248 = vector.shape_cast %swap3A_247 : vector<16xi32> to vector<16xi32>
    %swap3A_249 = vector.shape_cast %add3A_234 : vector<16xi32> to vector<16xi32>
    tpu.vector_store %arg8[%swap3A_246], %swap3A_249 {strides = array<i32>} : memref<128xi32, #tpu.memory_space<vmem>>, vector<16xi32>,
    %swap3A_250 = arith.constant 48 : index
    %swap3A_251 = tpu.vector_load %arg9[%swap3A_250] {strides = array<i32>} : memref<128xi32, #tpu.memory_space<vmem>>, vector<16xi32>,
    %swap3A_252 = vector.shape_cast %swap3A_251 : vector<16xi32> to vector<16xi32>
    %swap3A_253 = vector.shape_cast %add3A_238 : vector<16xi32> to vector<16xi32>
    tpu.vector_store %arg9[%swap3A_250], %swap3A_253 {strides = array<i32>} : memref<128xi32, #tpu.memory_space<vmem>>, vector<16xi32>,
    %swap3A_254 = arith.constant 48 : index
    %swap3A_255 = tpu.vector_load %arg10[%swap3A_254] {strides = array<i32>} : memref<128xi32, #tpu.memory_space<vmem>>, vector<16xi32>,
    %swap3A_256 = vector.shape_cast %swap3A_255 : vector<16xi32> to vector<16xi32>
    %swap3A_257 = vector.shape_cast %rem3A_245 : vector<16xi32> to vector<16xi32>
    tpu.vector_store %arg10[%swap3A_254], %swap3A_257 {strides = array<i32>} : memref<128xi32, #tpu.memory_space<vmem>>, vector<16xi32>,
    %add3A_258 = arith.constant 64 : i32
    %add3A_259 = arith.addi %mul3A_32, %add3A_258 : i32
    %add3A_260 = arith.constant 8 : i32
    %add3A_261 = arith.addi %add3A_260, %add3A_259 : i32
    %get3A_262 = arith.index_cast %add3A_261 : i32 to index
    %get3A_263 = tpu.vector_load %arg7[%get3A_262] {strides = array<i32>} : memref<520xi32, #tpu.memory_space<vmem>>, vector<16xi32>,
    %get3A_264 = vector.shape_cast %get3A_263 : vector<16xi32> to vector<16xi32>
    %add3A_265 = arith.constant 8 : i32
    %add3A_266 = arith.addi %add3A_265, %add3A_259 : i32
    %sub3A_267 = arith.constant 1 : i32
    %sub3A_268 = arith.subi %add3A_266, %sub3A_267 : i32
    %get3A_269 = arith.index_cast %sub3A_268 : i32 to index
    %get3A_270 = tpu.vector_load %arg7[%get3A_269] {strides = array<i32>} : memref<520xi32, #tpu.memory_space<vmem>>, vector<16xi32>,
    %get3A_271 = vector.shape_cast %get3A_270 : vector<16xi32> to vector<16xi32>
    %add3A_272 = arith.constant 8 : i32
    %add3A_273 = arith.addi %add3A_272, %add3A_259 : i32
    %sub3A_274 = arith.constant 2 : i32
    %sub3A_275 = arith.subi %add3A_273, %sub3A_274 : i32
    %get3A_276 = arith.index_cast %sub3A_275 : i32 to index
    %get3A_277 = tpu.vector_load %arg7[%get3A_276] {strides = array<i32>} : memref<520xi32, #tpu.memory_space<vmem>>, vector<16xi32>,
    %get3A_278 = vector.shape_cast %get3A_277 : vector<16xi32> to vector<16xi32>
    %add3A_279 = arith.constant 8 : i32
    %add3A_280 = arith.addi %add3A_279, %add3A_259 : i32
    %sub3A_281 = arith.constant 3 : i32
    %sub3A_282 = arith.subi %add3A_280, %sub3A_281 : i32
    %get3A_283 = arith.index_cast %sub3A_282 : i32 to index
    %get3A_284 = tpu.vector_load %arg7[%get3A_283] {strides = array<i32>} : memref<520xi32, #tpu.memory_space<vmem>>, vector<16xi32>,
    %get3A_285 = vector.shape_cast %get3A_284 : vector<16xi32> to vector<16xi32>
    %mul3A_286 = arith.constant 31 : i32
    %mul3A_287 = vector.broadcast %mul3A_286 : i32 to vector<16xi32>
    %mul3A_288 = arith.muli %get3A_271, %mul3A_287 : vector<16xi32>
    %add3A_289 = arith.addi %mul3A_288, %get3A_264 : vector<16xi32>
    %mul3A_290 = arith.constant 961 : i32
    %mul3A_291 = vector.broadcast %mul3A_290 : i32 to vector<16xi32>
    %mul3A_292 = arith.muli %get3A_278, %mul3A_291 : vector<16xi32>
    %add3A_293 = arith.addi %mul3A_292, %add3A_289 : vector<16xi32>
    %mul3A_294 = arith.constant 29791 : i32
    %mul3A_295 = vector.broadcast %mul3A_294 : i32 to vector<16xi32>
    %mul3A_296 = arith.muli %get3A_285, %mul3A_295 : vector<16xi32>
    %add3A_297 = arith.addi %mul3A_296, %add3A_293 : vector<16xi32>
    %rem3A_298 = arith.constant 500000 : i32
    %rem3A_299 = vector.broadcast %rem3A_298 : i32 to vector<16xi32>
    %rem3A_300 = arith.remsi %add3A_297, %rem3A_299 : vector<16xi32>
    %swap3A_301 = arith.constant 64 : index
    %swap3A_302 = tpu.vector_load %arg8[%swap3A_301] {strides = array<i32>} : memref<128xi32, #tpu.memory_space<vmem>>, vector<16xi32>,
    %swap3A_303 = vector.shape_cast %swap3A_302 : vector<16xi32> to vector<16xi32>
    %swap3A_304 = vector.shape_cast %add3A_289 : vector<16xi32> to vector<16xi32>
    tpu.vector_store %arg8[%swap3A_301], %swap3A_304 {strides = array<i32>} : memref<128xi32, #tpu.memory_space<vmem>>, vector<16xi32>,
    %swap3A_305 = arith.constant 64 : index
    %swap3A_306 = tpu.vector_load %arg9[%swap3A_305] {strides = array<i32>} : memref<128xi32, #tpu.memory_space<vmem>>, vector<16xi32>,
    %swap3A_307 = vector.shape_cast %swap3A_306 : vector<16xi32> to vector<16xi32>
    %swap3A_308 = vector.shape_cast %add3A_293 : vector<16xi32> to vector<16xi32>
    tpu.vector_store %arg9[%swap3A_305], %swap3A_308 {strides = array<i32>} : memref<128xi32, #tpu.memory_space<vmem>>, vector<16xi32>,
    %swap3A_309 = arith.constant 64 : index
    %swap3A_310 = tpu.vector_load %arg10[%swap3A_309] {strides = array<i32>} : memref<128xi32, #tpu.memory_space<vmem>>, vector<16xi32>,
    %swap3A_311 = vector.shape_cast %swap3A_310 : vector<16xi32> to vector<16xi32>
    %swap3A_312 = vector.shape_cast %rem3A_300 : vector<16xi32> to vector<16xi32>
    tpu.vector_store %arg10[%swap3A_309], %swap3A_312 {strides = array<i32>} : memref<128xi32, #tpu.memory_space<vmem>>, vector<16xi32>,
    %add3A_313 = arith.constant 80 : i32
    %add3A_314 = arith.addi %mul3A_32, %add3A_313 : i32
    %add3A_315 = arith.constant 8 : i32
    %add3A_316 = arith.addi %add3A_315, %add3A_314 : i32
    %get3A_317 = arith.index_cast %add3A_316 : i32 to index
    %get3A_318 = tpu.vector_load %arg7[%get3A_317] {strides = array<i32>} : memref<520xi32, #tpu.memory_space<vmem>>, vector<16xi32>,
    %get3A_319 = vector.shape_cast %get3A_318 : vector<16xi32> to vector<16xi32>
    %add3A_320 = arith.constant 8 : i32
    %add3A_321 = arith.addi %add3A_320, %add3A_314 : i32
    %sub3A_322 = arith.constant 1 : i32
    %sub3A_323 = arith.subi %add3A_321, %sub3A_322 : i32
    %get3A_324 = arith.index_cast %sub3A_323 : i32 to index
    %get3A_325 = tpu.vector_load %arg7[%get3A_324] {strides = array<i32>} : memref<520xi32, #tpu.memory_space<vmem>>, vector<16xi32>,
    %get3A_326 = vector.shape_cast %get3A_325 : vector<16xi32> to vector<16xi32>
    %add3A_327 = arith.constant 8 : i32
    %add3A_328 = arith.addi %add3A_327, %add3A_314 : i32
    %sub3A_329 = arith.constant 2 : i32
    %sub3A_330 = arith.subi %add3A_328, %sub3A_329 : i32
    %get3A_331 = arith.index_cast %sub3A_330 : i32 to index
    %get3A_332 = tpu.vector_load %arg7[%get3A_331] {strides = array<i32>} : memref<520xi32, #tpu.memory_space<vmem>>, vector<16xi32>,
    %get3A_333 = vector.shape_cast %get3A_332 : vector<16xi32> to vector<16xi32>
    %add3A_334 = arith.constant 8 : i32
    %add3A_335 = arith.addi %add3A_334, %add3A_314 : i32
    %sub3A_336 = arith.constant 3 : i32
    %sub3A_337 = arith.subi %add3A_335, %sub3A_336 : i32
    %get3A_338 = arith.index_cast %sub3A_337 : i32 to index
    %get3A_339 = tpu.vector_load %arg7[%get3A_338] {strides = array<i32>} : memref<520xi32, #tpu.memory_space<vmem>>, vector<16xi32>,
    %get3A_340 = vector.shape_cast %get3A_339 : vector<16xi32> to vector<16xi32>
    %mul3A_341 = arith.constant 31 : i32
    %mul3A_342 = vector.broadcast %mul3A_341 : i32 to vector<16xi32>
    %mul3A_343 = arith.muli %get3A_326, %mul3A_342 : vector<16xi32>
    %add3A_344 = arith.addi %mul3A_343, %get3A_319 : vector<16xi32>
    %mul3A_345 = arith.constant 961 : i32
    %mul3A_346 = vector.broadcast %mul3A_345 : i32 to vector<16xi32>
    %mul3A_347 = arith.muli %get3A_333, %mul3A_346 : vector<16xi32>
    %add3A_348 = arith.addi %mul3A_347, %add3A_344 : vector<16xi32>
    %mul3A_349 = arith.constant 29791 : i32
    %mul3A_350 = vector.broadcast %mul3A_349 : i32 to vector<16xi32>
    %mul3A_351 = arith.muli %get3A_340, %mul3A_350 : vector<16xi32>
    %add3A_352 = arith.addi %mul3A_351, %add3A_348 : vector<16xi32>
    %rem3A_353 = arith.constant 500000 : i32
    %rem3A_354 = vector.broadcast %rem3A_353 : i32 to vector<16xi32>
    %rem3A_355 = arith.remsi %add3A_352, %rem3A_354 : vector<16xi32>
    %swap3A_356 = arith.constant 80 : index
    %swap3A_357 = tpu.vector_load %arg8[%swap3A_356] {strides = array<i32>} : memref<128xi32, #tpu.memory_space<vmem>>, vector<16xi32>,
    %swap3A_358 = vector.shape_cast %swap3A_357 : vector<16xi32> to vector<16xi32>
    %swap3A_359 = vector.shape_cast %add3A_344 : vector<16xi32> to vector<16xi32>
    tpu.vector_store %arg8[%swap3A_356], %swap3A_359 {strides = array<i32>} : memref<128xi32, #tpu.memory_space<vmem>>, vector<16xi32>,
    %swap3A_360 = arith.constant 80 : index
    %swap3A_361 = tpu.vector_load %arg9[%swap3A_360] {strides = array<i32>} : memref<128xi32, #tpu.memory_space<vmem>>, vector<16xi32>,
    %swap3A_362 = vector.shape_cast %swap3A_361 : vector<16xi32> to vector<16xi32>
    %swap3A_363 = vector.shape_cast %add3A_348 : vector<16xi32> to vector<16xi32>
    tpu.vector_store %arg9[%swap3A_360], %swap3A_363 {strides = array<i32>} : memref<128xi32, #tpu.memory_space<vmem>>, vector<16xi32>,
    %swap3A_364 = arith.constant 80 : index
    %swap3A_365 = tpu.vector_load %arg10[%swap3A_364] {strides = array<i32>} : memref<128xi32, #tpu.memory_space<vmem>>, vector<16xi32>,
    %swap3A_366 = vector.shape_cast %swap3A_365 : vector<16xi32> to vector<16xi32>
    %swap3A_367 = vector.shape_cast %rem3A_355 : vector<16xi32> to vector<16xi32>
    tpu.vector_store %arg10[%swap3A_364], %swap3A_367 {strides = array<i32>} : memref<128xi32, #tpu.memory_space<vmem>>, vector<16xi32>,
    %add3A_368 = arith.constant 96 : i32
    %add3A_369 = arith.addi %mul3A_32, %add3A_368 : i32
    %add3A_370 = arith.constant 8 : i32
    %add3A_371 = arith.addi %add3A_370, %add3A_369 : i32
    %get3A_372 = arith.index_cast %add3A_371 : i32 to index
    %get3A_373 = tpu.vector_load %arg7[%get3A_372] {strides = array<i32>} : memref<520xi32, #tpu.memory_space<vmem>>, vector<16xi32>,
    %get3A_374 = vector.shape_cast %get3A_373 : vector<16xi32> to vector<16xi32>
    %add3A_375 = arith.constant 8 : i32
    %add3A_376 = arith.addi %add3A_375, %add3A_369 : i32
    %sub3A_377 = arith.constant 1 : i32
    %sub3A_378 = arith.subi %add3A_376, %sub3A_377 : i32
    %get3A_379 = arith.index_cast %sub3A_378 : i32 to index
    %get3A_380 = tpu.vector_load %arg7[%get3A_379] {strides = array<i32>} : memref<520xi32, #tpu.memory_space<vmem>>, vector<16xi32>,
    %get3A_381 = vector.shape_cast %get3A_380 : vector<16xi32> to vector<16xi32>
    %add3A_382 = arith.constant 8 : i32
    %add3A_383 = arith.addi %add3A_382, %add3A_369 : i32
    %sub3A_384 = arith.constant 2 : i32
    %sub3A_385 = arith.subi %add3A_383, %sub3A_384 : i32
    %get3A_386 = arith.index_cast %sub3A_385 : i32 to index
    %get3A_387 = tpu.vector_load %arg7[%get3A_386] {strides = array<i32>} : memref<520xi32, #tpu.memory_space<vmem>>, vector<16xi32>,
    %get3A_388 = vector.shape_cast %get3A_387 : vector<16xi32> to vector<16xi32>
    %add3A_389 = arith.constant 8 : i32
    %add3A_390 = arith.addi %add3A_389, %add3A_369 : i32
    %sub3A_391 = arith.constant 3 : i32
    %sub3A_392 = arith.subi %add3A_390, %sub3A_391 : i32
    %get3A_393 = arith.index_cast %sub3A_392 : i32 to index
    %get3A_394 = tpu.vector_load %arg7[%get3A_393] {strides = array<i32>} : memref<520xi32, #tpu.memory_space<vmem>>, vector<16xi32>,
    %get3A_395 = vector.shape_cast %get3A_394 : vector<16xi32> to vector<16xi32>
    %mul3A_396 = arith.constant 31 : i32
    %mul3A_397 = vector.broadcast %mul3A_396 : i32 to vector<16xi32>
    %mul3A_398 = arith.muli %get3A_381, %mul3A_397 : vector<16xi32>
    %add3A_399 = arith.addi %mul3A_398, %get3A_374 : vector<16xi32>
    %mul3A_400 = arith.constant 961 : i32
    %mul3A_401 = vector.broadcast %mul3A_400 : i32 to vector<16xi32>
    %mul3A_402 = arith.muli %get3A_388, %mul3A_401 : vector<16xi32>
    %add3A_403 = arith.addi %mul3A_402, %add3A_399 : vector<16xi32>
    %mul3A_404 = arith.constant 29791 : i32
    %mul3A_405 = vector.broadcast %mul3A_404 : i32 to vector<16xi32>
    %mul3A_406 = arith.muli %get3A_395, %mul3A_405 : vector<16xi32>
    %add3A_407 = arith.addi %mul3A_406, %add3A_403 : vector<16xi32>
    %rem3A_408 = arith.constant 500000 : i32
    %rem3A_409 = vector.broadcast %rem3A_408 : i32 to vector<16xi32>
    %rem3A_410 = arith.remsi %add3A_407, %rem3A_409 : vector<16xi32>
    %swap3A_411 = arith.constant 96 : index
    %swap3A_412 = tpu.vector_load %arg8[%swap3A_411] {strides = array<i32>} : memref<128xi32, #tpu.memory_space<vmem>>, vector<16xi32>,
    %swap3A_413 = vector.shape_cast %swap3A_412 : vector<16xi32> to vector<16xi32>
    %swap3A_414 = vector.shape_cast %add3A_399 : vector<16xi32> to vector<16xi32>
    tpu.vector_store %arg8[%swap3A_411], %swap3A_414 {strides = array<i32>} : memref<128xi32, #tpu.memory_space<vmem>>, vector<16xi32>,
    %swap3A_415 = arith.constant 96 : index
    %swap3A_416 = tpu.vector_load %arg9[%swap3A_415] {strides = array<i32>} : memref<128xi32, #tpu.memory_space<vmem>>, vector<16xi32>,
    %swap3A_417 = vector.shape_cast %swap3A_416 : vector<16xi32> to vector<16xi32>
    %swap3A_418 = vector.shape_cast %add3A_403 : vector<16xi32> to vector<16xi32>
    tpu.vector_store %arg9[%swap3A_415], %swap3A_418 {strides = array<i32>} : memref<128xi32, #tpu.memory_space<vmem>>, vector<16xi32>,
    %swap3A_419 = arith.constant 96 : index
    %swap3A_420 = tpu.vector_load %arg10[%swap3A_419] {strides = array<i32>} : memref<128xi32, #tpu.memory_space<vmem>>, vector<16xi32>,
    %swap3A_421 = vector.shape_cast %swap3A_420 : vector<16xi32> to vector<16xi32>
    %swap3A_422 = vector.shape_cast %rem3A_410 : vector<16xi32> to vector<16xi32>
    tpu.vector_store %arg10[%swap3A_419], %swap3A_422 {strides = array<i32>} : memref<128xi32, #tpu.memory_space<vmem>>, vector<16xi32>,
    %add3A_423 = arith.constant 112 : i32
    %add3A_424 = arith.addi %mul3A_32, %add3A_423 : i32
    %add3A_425 = arith.constant 8 : i32
    %add3A_426 = arith.addi %add3A_425, %add3A_424 : i32
    %get3A_427 = arith.index_cast %add3A_426 : i32 to index
    %get3A_428 = tpu.vector_load %arg7[%get3A_427] {strides = array<i32>} : memref<520xi32, #tpu.memory_space<vmem>>, vector<16xi32>,
    %get3A_429 = vector.shape_cast %get3A_428 : vector<16xi32> to vector<16xi32>
    %add3A_430 = arith.constant 8 : i32
    %add3A_431 = arith.addi %add3A_430, %add3A_424 : i32
    %sub3A_432 = arith.constant 1 : i32
    %sub3A_433 = arith.subi %add3A_431, %sub3A_432 : i32
    %get3A_434 = arith.index_cast %sub3A_433 : i32 to index
    %get3A_435 = tpu.vector_load %arg7[%get3A_434] {strides = array<i32>} : memref<520xi32, #tpu.memory_space<vmem>>, vector<16xi32>,
    %get3A_436 = vector.shape_cast %get3A_435 : vector<16xi32> to vector<16xi32>
    %add3A_437 = arith.constant 8 : i32
    %add3A_438 = arith.addi %add3A_437, %add3A_424 : i32
    %sub3A_439 = arith.constant 2 : i32
    %sub3A_440 = arith.subi %add3A_438, %sub3A_439 : i32
    %get3A_441 = arith.index_cast %sub3A_440 : i32 to index
    %get3A_442 = tpu.vector_load %arg7[%get3A_441] {strides = array<i32>} : memref<520xi32, #tpu.memory_space<vmem>>, vector<16xi32>,
    %get3A_443 = vector.shape_cast %get3A_442 : vector<16xi32> to vector<16xi32>
    %add3A_444 = arith.constant 8 : i32
    %add3A_445 = arith.addi %add3A_444, %add3A_424 : i32
    %sub3A_446 = arith.constant 3 : i32
    %sub3A_447 = arith.subi %add3A_445, %sub3A_446 : i32
    %get3A_448 = arith.index_cast %sub3A_447 : i32 to index
    %get3A_449 = tpu.vector_load %arg7[%get3A_448] {strides = array<i32>} : memref<520xi32, #tpu.memory_space<vmem>>, vector<16xi32>,
    %get3A_450 = vector.shape_cast %get3A_449 : vector<16xi32> to vector<16xi32>
    %mul3A_451 = arith.constant 31 : i32
    %mul3A_452 = vector.broadcast %mul3A_451 : i32 to vector<16xi32>
    %mul3A_453 = arith.muli %get3A_436, %mul3A_452 : vector<16xi32>
    %add3A_454 = arith.addi %mul3A_453, %get3A_429 : vector<16xi32>
    %mul3A_455 = arith.constant 961 : i32
    %mul3A_456 = vector.broadcast %mul3A_455 : i32 to vector<16xi32>
    %mul3A_457 = arith.muli %get3A_443, %mul3A_456 : vector<16xi32>
    %add3A_458 = arith.addi %mul3A_457, %add3A_454 : vector<16xi32>
    %mul3A_459 = arith.constant 29791 : i32
    %mul3A_460 = vector.broadcast %mul3A_459 : i32 to vector<16xi32>
    %mul3A_461 = arith.muli %get3A_450, %mul3A_460 : vector<16xi32>
    %add3A_462 = arith.addi %mul3A_461, %add3A_458 : vector<16xi32>
    %rem3A_463 = arith.constant 500000 : i32
    %rem3A_464 = vector.broadcast %rem3A_463 : i32 to vector<16xi32>
    %rem3A_465 = arith.remsi %add3A_462, %rem3A_464 : vector<16xi32>
    %swap3A_466 = arith.constant 112 : index
    %swap3A_467 = tpu.vector_load %arg8[%swap3A_466] {strides = array<i32>} : memref<128xi32, #tpu.memory_space<vmem>>, vector<16xi32>,
    %swap3A_468 = vector.shape_cast %swap3A_467 : vector<16xi32> to vector<16xi32>
    %swap3A_469 = vector.shape_cast %add3A_454 : vector<16xi32> to vector<16xi32>
    tpu.vector_store %arg8[%swap3A_466], %swap3A_469 {strides = array<i32>} : memref<128xi32, #tpu.memory_space<vmem>>, vector<16xi32>,
    %swap3A_470 = arith.constant 112 : index
    %swap3A_471 = tpu.vector_load %arg9[%swap3A_470] {strides = array<i32>} : memref<128xi32, #tpu.memory_space<vmem>>, vector<16xi32>,
    %swap3A_472 = vector.shape_cast %swap3A_471 : vector<16xi32> to vector<16xi32>
    %swap3A_473 = vector.shape_cast %add3A_458 : vector<16xi32> to vector<16xi32>
    tpu.vector_store %arg9[%swap3A_470], %swap3A_473 {strides = array<i32>} : memref<128xi32, #tpu.memory_space<vmem>>, vector<16xi32>,
    %swap3A_474 = arith.constant 112 : index
    %swap3A_475 = tpu.vector_load %arg10[%swap3A_474] {strides = array<i32>} : memref<128xi32, #tpu.memory_space<vmem>>, vector<16xi32>,
    %swap3A_476 = vector.shape_cast %swap3A_475 : vector<16xi32> to vector<16xi32>
    %swap3A_477 = vector.shape_cast %rem3A_465 : vector<16xi32> to vector<16xi32>
    tpu.vector_store %arg10[%swap3A_474], %swap3A_477 {strides = array<i32>} : memref<128xi32, #tpu.memory_space<vmem>>, vector<16xi32>,
    %dma_start3A = arith.constant 0 : i32
    %dma_start3A_478 = arith.constant 0 : i32
    %dma_start3A_479 = tpu.memref_slice %arg3[%dma_start3A, %dma_start3A_478] : memref<500000x64xf32, #tpu.memory_space<hbm>> -> memref<500000x64xf32, #tpu.memory_space<hbm>>
    tpu.enqueue_indirect_dma source(%dma_start3A_479 : memref<500000x64xf32, #tpu.memory_space<hbm>>) target(%arg11 : memref<128x64xf32, #tpu.memory_space<vmem>>) offsets(%arg8 : memref<128xi32, #tpu.memory_space<vmem>>) semaphore(%arg15 : memref<!tpu.dma_semaphore, #tpu.memory_space<semaphore_mem>>)
    %dma_start3A_480 = arith.constant 0 : i32
    %dma_start3A_481 = arith.constant 0 : i32
    %dma_start3A_482 = tpu.memref_slice %arg4[%dma_start3A_480, %dma_start3A_481] : memref<500000x64xf32, #tpu.memory_space<hbm>> -> memref<500000x64xf32, #tpu.memory_space<hbm>>
    tpu.enqueue_indirect_dma source(%dma_start3A_482 : memref<500000x64xf32, #tpu.memory_space<hbm>>) target(%arg12 : memref<128x64xf32, #tpu.memory_space<vmem>>) offsets(%arg9 : memref<128xi32, #tpu.memory_space<vmem>>) semaphore(%arg15 : memref<!tpu.dma_semaphore, #tpu.memory_space<semaphore_mem>>)
    %dma_start3A_483 = arith.constant 0 : i32
    %dma_start3A_484 = arith.constant 0 : i32
    %dma_start3A_485 = tpu.memref_slice %arg5[%dma_start3A_483, %dma_start3A_484] : memref<500000x64xf32, #tpu.memory_space<hbm>> -> memref<500000x64xf32, #tpu.memory_space<hbm>>
    tpu.enqueue_indirect_dma source(%dma_start3A_485 : memref<500000x64xf32, #tpu.memory_space<hbm>>) target(%arg13 : memref<128x64xf32, #tpu.memory_space<vmem>>) offsets(%arg10 : memref<128xi32, #tpu.memory_space<vmem>>) semaphore(%arg15 : memref<!tpu.dma_semaphore, #tpu.memory_space<semaphore_mem>>)
    %dma_wait3A = arith.constant 0 : i32
    %dma_wait3A_486 = arith.constant 0 : i32
    %dma_wait3A_487 = tpu.memref_slice %arg3[%dma_wait3A, %dma_wait3A_486] : memref<500000x64xf32, #tpu.memory_space<hbm>> -> memref<500000x64xf32, #tpu.memory_space<hbm>>
    tpu.wait_indirect_dma semaphore(%arg15 : memref<!tpu.dma_semaphore, #tpu.memory_space<semaphore_mem>>) src(%dma_wait3A_487 : memref<500000x64xf32, #tpu.memory_space<hbm>>) dst(%arg11 : memref<128x64xf32, #tpu.memory_space<vmem>>)
    %dma_wait3A_488 = arith.constant 0 : i32
    %dma_wait3A_489 = arith.constant 0 : i32
    %dma_wait3A_490 = tpu.memref_slice %arg4[%dma_wait3A_488, %dma_wait3A_489] : memref<500000x64xf32, #tpu.memory_space<hbm>> -> memref<500000x64xf32, #tpu.memory_space<hbm>>
    tpu.wait_indirect_dma semaphore(%arg15 : memref<!tpu.dma_semaphore, #tpu.memory_space<semaphore_mem>>) src(%dma_wait3A_490 : memref<500000x64xf32, #tpu.memory_space<hbm>>) dst(%arg12 : memref<128x64xf32, #tpu.memory_space<vmem>>)
    %dma_wait3A_491 = arith.constant 0 : i32
    %dma_wait3A_492 = arith.constant 0 : i32
    %dma_wait3A_493 = tpu.memref_slice %arg5[%dma_wait3A_491, %dma_wait3A_492] : memref<500000x64xf32, #tpu.memory_space<hbm>> -> memref<500000x64xf32, #tpu.memory_space<hbm>>
    tpu.wait_indirect_dma semaphore(%arg15 : memref<!tpu.dma_semaphore, #tpu.memory_space<semaphore_mem>>) src(%dma_wait3A_493 : memref<500000x64xf32, #tpu.memory_space<hbm>>) dst(%arg13 : memref<128x64xf32, #tpu.memory_space<vmem>>)
    %scan3A = arith.constant 0 : i32
    %scan3A_494 = arith.constant 0 : i32
    %scan3A_495 = arith.constant 128 : i32
    %scan3A_496 = arith.addi %scan3A_494, %scan3A_495 : i32
    %scan3A_497 = arith.constant 1 : i32
    %scan3A_498 = scf.for %scan3A_503 = %scan3A_494 to %scan3A_496 step %scan3A_497 iter_args(%scan3A_504 = %scan3A) -> (i32)  : i32 {
      %get3A_505 = arith.index_cast %scan3A_503 : i32 to index
      %get3A_506 = arith.constant 0 : index
      %get3A_507 = tpu.vector_load %arg11[%get3A_505, %get3A_506] {strides = array<i32>} : memref<128x64xf32, #tpu.memory_space<vmem>>, vector<1x16xf32>,
      %get3A_508 = vector.shape_cast %get3A_507 : vector<1x16xf32> to vector<16xf32>
      %get3A_509 = arith.index_cast %scan3A_503 : i32 to index
      %get3A_510 = arith.constant 0 : index
      %get3A_511 = tpu.vector_load %arg12[%get3A_509, %get3A_510] {strides = array<i32>} : memref<128x64xf32, #tpu.memory_space<vmem>>, vector<1x16xf32>,
      %get3A_512 = vector.shape_cast %get3A_511 : vector<1x16xf32> to vector<16xf32>
      %add3A_513 = arith.addf %get3A_508, %get3A_512 : vector<16xf32>
      %get3A_514 = arith.index_cast %scan3A_503 : i32 to index
      %get3A_515 = arith.constant 0 : index
      %get3A_516 = tpu.vector_load %arg13[%get3A_514, %get3A_515] {strides = array<i32>} : memref<128x64xf32, #tpu.memory_space<vmem>>, vector<1x16xf32>,
      %get3A_517 = vector.shape_cast %get3A_516 : vector<1x16xf32> to vector<16xf32>
      %add3A_518 = arith.addf %add3A_513, %get3A_517 : vector<16xf32>
      %mul3A_519 = arith.constant 2.500000e-01 : f32
      %mul3A_520 = vector.broadcast %mul3A_519 : f32 to vector<16xf32>
      %mul3A_521 = arith.mulf %add3A_518, %mul3A_520 : vector<16xf32>
      %swap3A_522 = arith.index_cast %scan3A_503 : i32 to index
      %swap3A_523 = arith.constant 0 : index
      %swap3A_524 = tpu.vector_load %arg14[%swap3A_522, %swap3A_523] {strides = array<i32>} : memref<128x64xf32, #tpu.memory_space<vmem>>, vector<1x16xf32>,
      %swap3A_525 = vector.shape_cast %swap3A_524 : vector<1x16xf32> to vector<16xf32>
      %swap3A_526 = vector.shape_cast %mul3A_521 : vector<16xf32> to vector<1x16xf32>
      tpu.vector_store %arg14[%swap3A_522, %swap3A_523], %swap3A_526 {strides = array<i32>} : memref<128x64xf32, #tpu.memory_space<vmem>>, vector<1x16xf32>,
      %get3A_527 = arith.index_cast %scan3A_503 : i32 to index
      %get3A_528 = arith.constant 16 : index
      %get3A_529 = tpu.vector_load %arg11[%get3A_527, %get3A_528] {strides = array<i32>} : memref<128x64xf32, #tpu.memory_space<vmem>>, vector<1x16xf32>,
      %get3A_530 = vector.shape_cast %get3A_529 : vector<1x16xf32> to vector<16xf32>
      %get3A_531 = arith.index_cast %scan3A_503 : i32 to index
      %get3A_532 = arith.constant 16 : index
      %get3A_533 = tpu.vector_load %arg12[%get3A_531, %get3A_532] {strides = array<i32>} : memref<128x64xf32, #tpu.memory_space<vmem>>, vector<1x16xf32>,
      %get3A_534 = vector.shape_cast %get3A_533 : vector<1x16xf32> to vector<16xf32>
      %add3A_535 = arith.addf %get3A_530, %get3A_534 : vector<16xf32>
      %get3A_536 = arith.index_cast %scan3A_503 : i32 to index
      %get3A_537 = arith.constant 16 : index
      %get3A_538 = tpu.vector_load %arg13[%get3A_536, %get3A_537] {strides = array<i32>} : memref<128x64xf32, #tpu.memory_space<vmem>>, vector<1x16xf32>,
      %get3A_539 = vector.shape_cast %get3A_538 : vector<1x16xf32> to vector<16xf32>
      %add3A_540 = arith.addf %add3A_535, %get3A_539 : vector<16xf32>
      %mul3A_541 = arith.constant 2.500000e-01 : f32
      %mul3A_542 = vector.broadcast %mul3A_541 : f32 to vector<16xf32>
      %mul3A_543 = arith.mulf %add3A_540, %mul3A_542 : vector<16xf32>
      %swap3A_544 = arith.index_cast %scan3A_503 : i32 to index
      %swap3A_545 = arith.constant 16 : index
      %swap3A_546 = tpu.vector_load %arg14[%swap3A_544, %swap3A_545] {strides = array<i32>} : memref<128x64xf32, #tpu.memory_space<vmem>>, vector<1x16xf32>,
      %swap3A_547 = vector.shape_cast %swap3A_546 : vector<1x16xf32> to vector<16xf32>
      %swap3A_548 = vector.shape_cast %mul3A_543 : vector<16xf32> to vector<1x16xf32>
      tpu.vector_store %arg14[%swap3A_544, %swap3A_545], %swap3A_548 {strides = array<i32>} : memref<128x64xf32, #tpu.memory_space<vmem>>, vector<1x16xf32>,
      %get3A_549 = arith.index_cast %scan3A_503 : i32 to index
      %get3A_550 = arith.constant 32 : index
      %get3A_551 = tpu.vector_load %arg11[%get3A_549, %get3A_550] {strides = array<i32>} : memref<128x64xf32, #tpu.memory_space<vmem>>, vector<1x16xf32>,
      %get3A_552 = vector.shape_cast %get3A_551 : vector<1x16xf32> to vector<16xf32>
      %get3A_553 = arith.index_cast %scan3A_503 : i32 to index
      %get3A_554 = arith.constant 32 : index
      %get3A_555 = tpu.vector_load %arg12[%get3A_553, %get3A_554] {strides = array<i32>} : memref<128x64xf32, #tpu.memory_space<vmem>>, vector<1x16xf32>,
      %get3A_556 = vector.shape_cast %get3A_555 : vector<1x16xf32> to vector<16xf32>
      %add3A_557 = arith.addf %get3A_552, %get3A_556 : vector<16xf32>
      %get3A_558 = arith.index_cast %scan3A_503 : i32 to index
      %get3A_559 = arith.constant 32 : index
      %get3A_560 = tpu.vector_load %arg13[%get3A_558, %get3A_559] {strides = array<i32>} : memref<128x64xf32, #tpu.memory_space<vmem>>, vector<1x16xf32>,
      %get3A_561 = vector.shape_cast %get3A_560 : vector<1x16xf32> to vector<16xf32>
      %add3A_562 = arith.addf %add3A_557, %get3A_561 : vector<16xf32>
      %mul3A_563 = arith.constant 2.500000e-01 : f32
      %mul3A_564 = vector.broadcast %mul3A_563 : f32 to vector<16xf32>
      %mul3A_565 = arith.mulf %add3A_562, %mul3A_564 : vector<16xf32>
      %swap3A_566 = arith.index_cast %scan3A_503 : i32 to index
      %swap3A_567 = arith.constant 32 : index
      %swap3A_568 = tpu.vector_load %arg14[%swap3A_566, %swap3A_567] {strides = array<i32>} : memref<128x64xf32, #tpu.memory_space<vmem>>, vector<1x16xf32>,
      %swap3A_569 = vector.shape_cast %swap3A_568 : vector<1x16xf32> to vector<16xf32>
      %swap3A_570 = vector.shape_cast %mul3A_565 : vector<16xf32> to vector<1x16xf32>
      tpu.vector_store %arg14[%swap3A_566, %swap3A_567], %swap3A_570 {strides = array<i32>} : memref<128x64xf32, #tpu.memory_space<vmem>>, vector<1x16xf32>,
      %get3A_571 = arith.index_cast %scan3A_503 : i32 to index
      %get3A_572 = arith.constant 48 : index
      %get3A_573 = tpu.vector_load %arg11[%get3A_571, %get3A_572] {strides = array<i32>} : memref<128x64xf32, #tpu.memory_space<vmem>>, vector<1x16xf32>,
      %get3A_574 = vector.shape_cast %get3A_573 : vector<1x16xf32> to vector<16xf32>
      %get3A_575 = arith.index_cast %scan3A_503 : i32 to index
      %get3A_576 = arith.constant 48 : index
      %get3A_577 = tpu.vector_load %arg12[%get3A_575, %get3A_576] {strides = array<i32>} : memref<128x64xf32, #tpu.memory_space<vmem>>, vector<1x16xf32>,
      %get3A_578 = vector.shape_cast %get3A_577 : vector<1x16xf32> to vector<16xf32>
      %add3A_579 = arith.addf %get3A_574, %get3A_578 : vector<16xf32>
      %get3A_580 = arith.index_cast %scan3A_503 : i32 to index
      %get3A_581 = arith.constant 48 : index
      %get3A_582 = tpu.vector_load %arg13[%get3A_580, %get3A_581] {strides = array<i32>} : memref<128x64xf32, #tpu.memory_space<vmem>>, vector<1x16xf32>,
      %get3A_583 = vector.shape_cast %get3A_582 : vector<1x16xf32> to vector<16xf32>
      %add3A_584 = arith.addf %add3A_579, %get3A_583 : vector<16xf32>
      %mul3A_585 = arith.constant 2.500000e-01 : f32
      %mul3A_586 = vector.broadcast %mul3A_585 : f32 to vector<16xf32>
      %mul3A_587 = arith.mulf %add3A_584, %mul3A_586 : vector<16xf32>
      %swap3A_588 = arith.index_cast %scan3A_503 : i32 to index
      %swap3A_589 = arith.constant 48 : index
      %swap3A_590 = tpu.vector_load %arg14[%swap3A_588, %swap3A_589] {strides = array<i32>} : memref<128x64xf32, #tpu.memory_space<vmem>>, vector<1x16xf32>,
      %swap3A_591 = vector.shape_cast %swap3A_590 : vector<1x16xf32> to vector<16xf32>
      %swap3A_592 = vector.shape_cast %mul3A_587 : vector<16xf32> to vector<1x16xf32>
      tpu.vector_store %arg14[%swap3A_588, %swap3A_589], %swap3A_592 {strides = array<i32>} : memref<128x64xf32, #tpu.memory_space<vmem>>, vector<1x16xf32>,
      %scan3A_593 = arith.constant 0 : i32
      scf.yield %scan3A_593 : i32
    }
    %scan3A_499 = arith.constant 128 : i32
    %eq3A_500 = arith.constant 0 : i32
    %eq3A_501 = arith.cmpi eq, %mul3A_32, %eq3A_500 : i32
    %convert_element_type3A = arith.extui %eq3A_501 : i1 to i32
    %cond3A = arith.constant 0 : i32
    %cond3A_502 = arith.cmpi ne, %convert_element_type3A, %cond3A : i32
    scf.if %cond3A_502 {
      %broadcast_in_dim3A_503 = arith.constant 0.000000e+00 : f32
      %broadcast_in_dim3A_504 = vector.broadcast %broadcast_in_dim3A_503 : f32 to vector<16xf32>
      %swap3A_505 = arith.constant 0 : i32
      %swap3A_506 = arith.index_cast %swap3A_505 : i32 to index
      %swap3A_507 = arith.constant 0 : index
      %swap3A_508 = tpu.vector_load %arg14[%swap3A_506, %swap3A_507] {strides = array<i32>} : memref<128x64xf32, #tpu.memory_space<vmem>>, vector<1x16xf32>,
      %swap3A_509 = vector.shape_cast %swap3A_508 : vector<1x16xf32> to vector<16xf32>
      %swap3A_510 = vector.shape_cast %broadcast_in_dim3A_504 : vector<16xf32> to vector<1x16xf32>
      tpu.vector_store %arg14[%swap3A_506, %swap3A_507], %swap3A_510 {strides = array<i32>} : memref<128x64xf32, #tpu.memory_space<vmem>>, vector<1x16xf32>,
      %get3A_511 = arith.constant 1 : i32
      %get3A_512 = arith.index_cast %get3A_511 : i32 to index
      %get3A_513 = arith.constant 0 : index
      %get3A_514 = tpu.vector_load %arg11[%get3A_512, %get3A_513] {strides = array<i32>} : memref<128x64xf32, #tpu.memory_space<vmem>>, vector<1x16xf32>,
      %get3A_515 = vector.shape_cast %get3A_514 : vector<1x16xf32> to vector<16xf32>
      %mul3A_516 = arith.constant 2.500000e-01 : f32
      %mul3A_517 = vector.broadcast %mul3A_516 : f32 to vector<16xf32>
      %mul3A_518 = arith.mulf %get3A_515, %mul3A_517 : vector<16xf32>
      %swap3A_519 = arith.constant 1 : i32
      %swap3A_520 = arith.index_cast %swap3A_519 : i32 to index
      %swap3A_521 = arith.constant 0 : index
      %swap3A_522 = tpu.vector_load %arg14[%swap3A_520, %swap3A_521] {strides = array<i32>} : memref<128x64xf32, #tpu.memory_space<vmem>>, vector<1x16xf32>,
      %swap3A_523 = vector.shape_cast %swap3A_522 : vector<1x16xf32> to vector<16xf32>
      %swap3A_524 = vector.shape_cast %mul3A_518 : vector<16xf32> to vector<1x16xf32>
      tpu.vector_store %arg14[%swap3A_520, %swap3A_521], %swap3A_524 {strides = array<i32>} : memref<128x64xf32, #tpu.memory_space<vmem>>, vector<1x16xf32>,
      %get3A_525 = arith.constant 2 : i32
      %get3A_526 = arith.index_cast %get3A_525 : i32 to index
      %get3A_527 = arith.constant 0 : index
      %get3A_528 = tpu.vector_load %arg11[%get3A_526, %get3A_527] {strides = array<i32>} : memref<128x64xf32, #tpu.memory_space<vmem>>, vector<1x16xf32>,
      %get3A_529 = vector.shape_cast %get3A_528 : vector<1x16xf32> to vector<16xf32>
      %get3A_530 = arith.constant 2 : i32
      %get3A_531 = arith.index_cast %get3A_530 : i32 to index
      %get3A_532 = arith.constant 0 : index
      %get3A_533 = tpu.vector_load %arg12[%get3A_531, %get3A_532] {strides = array<i32>} : memref<128x64xf32, #tpu.memory_space<vmem>>, vector<1x16xf32>,
      %get3A_534 = vector.shape_cast %get3A_533 : vector<1x16xf32> to vector<16xf32>
      %add3A_535 = arith.addf %get3A_529, %get3A_534 : vector<16xf32>
      %mul3A_536 = arith.constant 2.500000e-01 : f32
      %mul3A_537 = vector.broadcast %mul3A_536 : f32 to vector<16xf32>
      %mul3A_538 = arith.mulf %add3A_535, %mul3A_537 : vector<16xf32>
      %swap3A_539 = arith.constant 2 : i32
      %swap3A_540 = arith.index_cast %swap3A_539 : i32 to index
      %swap3A_541 = arith.constant 0 : index
      %swap3A_542 = tpu.vector_load %arg14[%swap3A_540, %swap3A_541] {strides = array<i32>} : memref<128x64xf32, #tpu.memory_space<vmem>>, vector<1x16xf32>,
      %swap3A_543 = vector.shape_cast %swap3A_542 : vector<1x16xf32> to vector<16xf32>
      %swap3A_544 = vector.shape_cast %mul3A_538 : vector<16xf32> to vector<1x16xf32>
      tpu.vector_store %arg14[%swap3A_540, %swap3A_541], %swap3A_544 {strides = array<i32>} : memref<128x64xf32, #tpu.memory_space<vmem>>, vector<1x16xf32>,
      %broadcast_in_dim3A_545 = arith.constant 0.000000e+00 : f32
      %broadcast_in_dim3A_546 = vector.broadcast %broadcast_in_dim3A_545 : f32 to vector<16xf32>
      %swap3A_547 = arith.constant 0 : i32
      %swap3A_548 = arith.index_cast %swap3A_547 : i32 to index
      %swap3A_549 = arith.constant 16 : index
      %swap3A_550 = tpu.vector_load %arg14[%swap3A_548, %swap3A_549] {strides = array<i32>} : memref<128x64xf32, #tpu.memory_space<vmem>>, vector<1x16xf32>,
      %swap3A_551 = vector.shape_cast %swap3A_550 : vector<1x16xf32> to vector<16xf32>
      %swap3A_552 = vector.shape_cast %broadcast_in_dim3A_546 : vector<16xf32> to vector<1x16xf32>
      tpu.vector_store %arg14[%swap3A_548, %swap3A_549], %swap3A_552 {strides = array<i32>} : memref<128x64xf32, #tpu.memory_space<vmem>>, vector<1x16xf32>,
      %get3A_553 = arith.constant 1 : i32
      %get3A_554 = arith.index_cast %get3A_553 : i32 to index
      %get3A_555 = arith.constant 16 : index
      %get3A_556 = tpu.vector_load %arg11[%get3A_554, %get3A_555] {strides = array<i32>} : memref<128x64xf32, #tpu.memory_space<vmem>>, vector<1x16xf32>,
      %get3A_557 = vector.shape_cast %get3A_556 : vector<1x16xf32> to vector<16xf32>
      %mul3A_558 = arith.constant 2.500000e-01 : f32
      %mul3A_559 = vector.broadcast %mul3A_558 : f32 to vector<16xf32>
      %mul3A_560 = arith.mulf %get3A_557, %mul3A_559 : vector<16xf32>
      %swap3A_561 = arith.constant 1 : i32
      %swap3A_562 = arith.index_cast %swap3A_561 : i32 to index
      %swap3A_563 = arith.constant 16 : index
      %swap3A_564 = tpu.vector_load %arg14[%swap3A_562, %swap3A_563] {strides = array<i32>} : memref<128x64xf32, #tpu.memory_space<vmem>>, vector<1x16xf32>,
      %swap3A_565 = vector.shape_cast %swap3A_564 : vector<1x16xf32> to vector<16xf32>
      %swap3A_566 = vector.shape_cast %mul3A_560 : vector<16xf32> to vector<1x16xf32>
      tpu.vector_store %arg14[%swap3A_562, %swap3A_563], %swap3A_566 {strides = array<i32>} : memref<128x64xf32, #tpu.memory_space<vmem>>, vector<1x16xf32>,
      %get3A_567 = arith.constant 2 : i32
      %get3A_568 = arith.index_cast %get3A_567 : i32 to index
      %get3A_569 = arith.constant 16 : index
      %get3A_570 = tpu.vector_load %arg11[%get3A_568, %get3A_569] {strides = array<i32>} : memref<128x64xf32, #tpu.memory_space<vmem>>, vector<1x16xf32>,
      %get3A_571 = vector.shape_cast %get3A_570 : vector<1x16xf32> to vector<16xf32>
      %get3A_572 = arith.constant 2 : i32
      %get3A_573 = arith.index_cast %get3A_572 : i32 to index
      %get3A_574 = arith.constant 16 : index
      %get3A_575 = tpu.vector_load %arg12[%get3A_573, %get3A_574] {strides = array<i32>} : memref<128x64xf32, #tpu.memory_space<vmem>>, vector<1x16xf32>,
      %get3A_576 = vector.shape_cast %get3A_575 : vector<1x16xf32> to vector<16xf32>
      %add3A_577 = arith.addf %get3A_571, %get3A_576 : vector<16xf32>
      %mul3A_578 = arith.constant 2.500000e-01 : f32
      %mul3A_579 = vector.broadcast %mul3A_578 : f32 to vector<16xf32>
      %mul3A_580 = arith.mulf %add3A_577, %mul3A_579 : vector<16xf32>
      %swap3A_581 = arith.constant 2 : i32
      %swap3A_582 = arith.index_cast %swap3A_581 : i32 to index
      %swap3A_583 = arith.constant 16 : index
      %swap3A_584 = tpu.vector_load %arg14[%swap3A_582, %swap3A_583] {strides = array<i32>} : memref<128x64xf32, #tpu.memory_space<vmem>>, vector<1x16xf32>,
      %swap3A_585 = vector.shape_cast %swap3A_584 : vector<1x16xf32> to vector<16xf32>
      %swap3A_586 = vector.shape_cast %mul3A_580 : vector<16xf32> to vector<1x16xf32>
      tpu.vector_store %arg14[%swap3A_582, %swap3A_583], %swap3A_586 {strides = array<i32>} : memref<128x64xf32, #tpu.memory_space<vmem>>, vector<1x16xf32>,
      %broadcast_in_dim3A_587 = arith.constant 0.000000e+00 : f32
      %broadcast_in_dim3A_588 = vector.broadcast %broadcast_in_dim3A_587 : f32 to vector<16xf32>
      %swap3A_589 = arith.constant 0 : i32
      %swap3A_590 = arith.index_cast %swap3A_589 : i32 to index
      %swap3A_591 = arith.constant 32 : index
      %swap3A_592 = tpu.vector_load %arg14[%swap3A_590, %swap3A_591] {strides = array<i32>} : memref<128x64xf32, #tpu.memory_space<vmem>>, vector<1x16xf32>,
      %swap3A_593 = vector.shape_cast %swap3A_592 : vector<1x16xf32> to vector<16xf32>
      %swap3A_594 = vector.shape_cast %broadcast_in_dim3A_588 : vector<16xf32> to vector<1x16xf32>
      tpu.vector_store %arg14[%swap3A_590, %swap3A_591], %swap3A_594 {strides = array<i32>} : memref<128x64xf32, #tpu.memory_space<vmem>>, vector<1x16xf32>,
      %get3A_595 = arith.constant 1 : i32
      %get3A_596 = arith.index_cast %get3A_595 : i32 to index
      %get3A_597 = arith.constant 32 : index
      %get3A_598 = tpu.vector_load %arg11[%get3A_596, %get3A_597] {strides = array<i32>} : memref<128x64xf32, #tpu.memory_space<vmem>>, vector<1x16xf32>,
      %get3A_599 = vector.shape_cast %get3A_598 : vector<1x16xf32> to vector<16xf32>
      %mul3A_600 = arith.constant 2.500000e-01 : f32
      %mul3A_601 = vector.broadcast %mul3A_600 : f32 to vector<16xf32>
      %mul3A_602 = arith.mulf %get3A_599, %mul3A_601 : vector<16xf32>
      %swap3A_603 = arith.constant 1 : i32
      %swap3A_604 = arith.index_cast %swap3A_603 : i32 to index
      %swap3A_605 = arith.constant 32 : index
      %swap3A_606 = tpu.vector_load %arg14[%swap3A_604, %swap3A_605] {strides = array<i32>} : memref<128x64xf32, #tpu.memory_space<vmem>>, vector<1x16xf32>,
      %swap3A_607 = vector.shape_cast %swap3A_606 : vector<1x16xf32> to vector<16xf32>
      %swap3A_608 = vector.shape_cast %mul3A_602 : vector<16xf32> to vector<1x16xf32>
      tpu.vector_store %arg14[%swap3A_604, %swap3A_605], %swap3A_608 {strides = array<i32>} : memref<128x64xf32, #tpu.memory_space<vmem>>, vector<1x16xf32>,
      %get3A_609 = arith.constant 2 : i32
      %get3A_610 = arith.index_cast %get3A_609 : i32 to index
      %get3A_611 = arith.constant 32 : index
      %get3A_612 = tpu.vector_load %arg11[%get3A_610, %get3A_611] {strides = array<i32>} : memref<128x64xf32, #tpu.memory_space<vmem>>, vector<1x16xf32>,
      %get3A_613 = vector.shape_cast %get3A_612 : vector<1x16xf32> to vector<16xf32>
      %get3A_614 = arith.constant 2 : i32
      %get3A_615 = arith.index_cast %get3A_614 : i32 to index
      %get3A_616 = arith.constant 32 : index
      %get3A_617 = tpu.vector_load %arg12[%get3A_615, %get3A_616] {strides = array<i32>} : memref<128x64xf32, #tpu.memory_space<vmem>>, vector<1x16xf32>,
      %get3A_618 = vector.shape_cast %get3A_617 : vector<1x16xf32> to vector<16xf32>
      %add3A_619 = arith.addf %get3A_613, %get3A_618 : vector<16xf32>
      %mul3A_620 = arith.constant 2.500000e-01 : f32
      %mul3A_621 = vector.broadcast %mul3A_620 : f32 to vector<16xf32>
      %mul3A_622 = arith.mulf %add3A_619, %mul3A_621 : vector<16xf32>
      %swap3A_623 = arith.constant 2 : i32
      %swap3A_624 = arith.index_cast %swap3A_623 : i32 to index
      %swap3A_625 = arith.constant 32 : index
      %swap3A_626 = tpu.vector_load %arg14[%swap3A_624, %swap3A_625] {strides = array<i32>} : memref<128x64xf32, #tpu.memory_space<vmem>>, vector<1x16xf32>,
      %swap3A_627 = vector.shape_cast %swap3A_626 : vector<1x16xf32> to vector<16xf32>
      %swap3A_628 = vector.shape_cast %mul3A_622 : vector<16xf32> to vector<1x16xf32>
      tpu.vector_store %arg14[%swap3A_624, %swap3A_625], %swap3A_628 {strides = array<i32>} : memref<128x64xf32, #tpu.memory_space<vmem>>, vector<1x16xf32>,
      %broadcast_in_dim3A_629 = arith.constant 0.000000e+00 : f32
      %broadcast_in_dim3A_630 = vector.broadcast %broadcast_in_dim3A_629 : f32 to vector<16xf32>
      %swap3A_631 = arith.constant 0 : i32
      %swap3A_632 = arith.index_cast %swap3A_631 : i32 to index
      %swap3A_633 = arith.constant 48 : index
      %swap3A_634 = tpu.vector_load %arg14[%swap3A_632, %swap3A_633] {strides = array<i32>} : memref<128x64xf32, #tpu.memory_space<vmem>>, vector<1x16xf32>,
      %swap3A_635 = vector.shape_cast %swap3A_634 : vector<1x16xf32> to vector<16xf32>
      %swap3A_636 = vector.shape_cast %broadcast_in_dim3A_630 : vector<16xf32> to vector<1x16xf32>
      tpu.vector_store %arg14[%swap3A_632, %swap3A_633], %swap3A_636 {strides = array<i32>} : memref<128x64xf32, #tpu.memory_space<vmem>>, vector<1x16xf32>,
      %get3A_637 = arith.constant 1 : i32
      %get3A_638 = arith.index_cast %get3A_637 : i32 to index
      %get3A_639 = arith.constant 48 : index
      %get3A_640 = tpu.vector_load %arg11[%get3A_638, %get3A_639] {strides = array<i32>} : memref<128x64xf32, #tpu.memory_space<vmem>>, vector<1x16xf32>,
      %get3A_641 = vector.shape_cast %get3A_640 : vector<1x16xf32> to vector<16xf32>
      %mul3A_642 = arith.constant 2.500000e-01 : f32
      %mul3A_643 = vector.broadcast %mul3A_642 : f32 to vector<16xf32>
      %mul3A_644 = arith.mulf %get3A_641, %mul3A_643 : vector<16xf32>
      %swap3A_645 = arith.constant 1 : i32
      %swap3A_646 = arith.index_cast %swap3A_645 : i32 to index
      %swap3A_647 = arith.constant 48 : index
      %swap3A_648 = tpu.vector_load %arg14[%swap3A_646, %swap3A_647] {strides = array<i32>} : memref<128x64xf32, #tpu.memory_space<vmem>>, vector<1x16xf32>,
      %swap3A_649 = vector.shape_cast %swap3A_648 : vector<1x16xf32> to vector<16xf32>
      %swap3A_650 = vector.shape_cast %mul3A_644 : vector<16xf32> to vector<1x16xf32>
      tpu.vector_store %arg14[%swap3A_646, %swap3A_647], %swap3A_650 {strides = array<i32>} : memref<128x64xf32, #tpu.memory_space<vmem>>, vector<1x16xf32>,
      %get3A_651 = arith.constant 2 : i32
      %get3A_652 = arith.index_cast %get3A_651 : i32 to index
      %get3A_653 = arith.constant 48 : index
      %get3A_654 = tpu.vector_load %arg11[%get3A_652, %get3A_653] {strides = array<i32>} : memref<128x64xf32, #tpu.memory_space<vmem>>, vector<1x16xf32>,
      %get3A_655 = vector.shape_cast %get3A_654 : vector<1x16xf32> to vector<16xf32>
      %get3A_656 = arith.constant 2 : i32
      %get3A_657 = arith.index_cast %get3A_656 : i32 to index
      %get3A_658 = arith.constant 48 : index
      %get3A_659 = tpu.vector_load %arg12[%get3A_657, %get3A_658] {strides = array<i32>} : memref<128x64xf32, #tpu.memory_space<vmem>>, vector<1x16xf32>,
      %get3A_660 = vector.shape_cast %get3A_659 : vector<1x16xf32> to vector<16xf32>
      %add3A_661 = arith.addf %get3A_655, %get3A_660 : vector<16xf32>
      %mul3A_662 = arith.constant 2.500000e-01 : f32
      %mul3A_663 = vector.broadcast %mul3A_662 : f32 to vector<16xf32>
      %mul3A_664 = arith.mulf %add3A_661, %mul3A_663 : vector<16xf32>
      %swap3A_665 = arith.constant 2 : i32
      %swap3A_666 = arith.index_cast %swap3A_665 : i32 to index
      %swap3A_667 = arith.constant 48 : index
      %swap3A_668 = tpu.vector_load %arg14[%swap3A_666, %swap3A_667] {strides = array<i32>} : memref<128x64xf32, #tpu.memory_space<vmem>>, vector<1x16xf32>,
      %swap3A_669 = vector.shape_cast %swap3A_668 : vector<1x16xf32> to vector<16xf32>
      %swap3A_670 = vector.shape_cast %mul3A_664 : vector<16xf32> to vector<1x16xf32>
      tpu.vector_store %arg14[%swap3A_666, %swap3A_667], %swap3A_670 {strides = array<i32>} : memref<128x64xf32, #tpu.memory_space<vmem>>, vector<1x16xf32>,
    } else {
    }
    "tpu.region"() ({
      %run_scoped3A = tpu.sem_alloc : memref<!tpu.dma_semaphore, #tpu.memory_space<semaphore_mem>>
      %dma_start3A_503 = arith.constant 0 : i32
      %dma_start3A_504 = tpu.memref_slice %arg6[%select_n3A, %mul3A_32, %dma_start3A_503] : memref<8x512x64xf32, #tpu.memory_space<hbm>> -> memref<1x128x64xf32, #tpu.memory_space<hbm>>
      %dma_start3A_505 = tpu.memref_squeeze %dma_start3A_504 : memref<1x128x64xf32, #tpu.memory_space<hbm>> -> memref<128x64xf32, #tpu.memory_space<hbm>>
      %dma_start3A_506 = arith.constant 0 : i32
      %dma_start3A_507 = tpu.memref_slice %arg6[%select_n3A, %mul3A_32, %dma_start3A_506] : memref<8x512x64xf32, #tpu.memory_space<hbm>> -> memref<1x128x64xf32, #tpu.memory_space<hbm>>
      %dma_start3A_508 = tpu.memref_squeeze %dma_start3A_507 : memref<1x128x64xf32, #tpu.memory_space<hbm>> -> memref<128x64xf32, #tpu.memory_space<hbm>>
      tpu.enqueue_dma source(%arg14 : memref<128x64xf32, #tpu.memory_space<vmem>>) target(%dma_start3A_508 : memref<128x64xf32, #tpu.memory_space<hbm>>) target_semaphore(%run_scoped3A : memref<!tpu.dma_semaphore, #tpu.memory_space<semaphore_mem>>)
      %dma_wait3A_509 = arith.constant 0 : i32
      %dma_wait3A_510 = tpu.memref_slice %arg6[%select_n3A, %mul3A_32, %dma_wait3A_509] : memref<8x512x64xf32, #tpu.memory_space<hbm>> -> memref<1x128x64xf32, #tpu.memory_space<hbm>>
      %dma_wait3A_511 = tpu.memref_squeeze %dma_wait3A_510 : memref<1x128x64xf32, #tpu.memory_space<hbm>> -> memref<128x64xf32, #tpu.memory_space<hbm>>
      %dma_wait3A_512 = arith.constant 0 : i32
      %dma_wait3A_513 = tpu.memref_slice %arg6[%select_n3A, %mul3A_32, %dma_wait3A_512] : memref<8x512x64xf32, #tpu.memory_space<hbm>> -> memref<1x128x64xf32, #tpu.memory_space<hbm>>
      %dma_wait3A_514 = tpu.memref_squeeze %dma_wait3A_513 : memref<1x128x64xf32, #tpu.memory_space<hbm>> -> memref<128x64xf32, #tpu.memory_space<hbm>>
      tpu.wait_dma2 semaphore(%run_scoped3A : memref<!tpu.dma_semaphore, #tpu.memory_space<semaphore_mem>>) src(%arg14 : memref<128x64xf32, #tpu.memory_space<vmem>>) dst(%dma_wait3A_514 : memref<128x64xf32, #tpu.memory_space<hbm>>)
      tpu.yield
    }) : () -> ()
    return
  }
}

</mosaic_0001>

<sc_bundles>
// kernel: kernel.3.cloned.1.call-start
scs
__scs_entry_jumppad:
0x0: {  	(pc) =	sbr.rel $0x88, $3  }
0x1: {  	(tag) =	ssettag $0x0;
	lr =	simm.s32 $0x1  }
0x2: {  	[smem:$0x3F9D] =	sst lr;
	_ =	strace $0xD0000000  }
0x3: {  	_ = 	snop  }
0x4: {  	_ = 	snop  }
0x5: {  	_ = 	snop  }
0x6: {  	_ = 	snop  }
0x7: {  	_ = 	snop  }
__scs_overlays_trampoline_lowered:
0x8: {  	[smem:$0x3FAC] =	sst s0  }
0x9: {  	[smem:$0x3FAD] =	sst s1  }
0xa: {  	[smem:$0x3FAE] =	sst s2  }
0xb: {  	[smem:$0x3FAF] =	sst s3  }
0xc: {  	[smem:$0x3FB0] =	sst s4  }
0xd: {  	[smem:$0x3FB1] =	sst s5  }
0xe: {  	[smem:$0x3FB2] =	sst s6  }
0xf: {  	[smem:$0x3FB3] =	sst s7  }
0x10: {  	[smem:$0x3FB4] =	sst s8  }
0x11: {  	[smem:$0x3FB5] =	sst s9;
	s0 =	simm.s32 @!p0 $0x0  }
0x12: {  	s1 =	sld [smem:$0x3F9B];
	s0 =	simm.s32 @p0 $0x1  }
0x13: {  	[smem:$0x3FB6] =	sst s0;
	s0 =	simm.s32 @!p1 $0x0  }
0x14: {  	s2 =	sld [smem:$0x3F9A];
	s0 =	simm.s32 @p1 $0x1  }
0x15: {  	[smem:$0x3FB7] =	sst s0;
	s0 =	simm.s32 @!p2 $0x0  }
0x16: {  	s3 =	sld [smem:$0x3FDB];
	s0 =	simm.s32 @p2 $0x1  }
0x17: {  	s4 =	simm.s32 $0x1BF5;
	[smem:$0x3FB9] =	sst s0  }
0x18: {  	s0 =	sld [smem:$0x3F9C];
	_ =	swait.ge [sflag:s4], $0x0  }
0x19: {  	s7 =	sld [smem:$0x3F9D]  }
0x1a: {  	s8 =	sadd.s32 $0xFFFFE003, lr  }
0x1b: {  	s9 =	sadd.s32 $0xFFFFFEF7, lr;
	s5 =	simm.s32 $0xFFFFFFFF;
	p2 =	slt.u32 s8, $0xFFFFF086  }
0x1c: {  	p1 =	slt.u32 s9, $0xF7A;
	s5 =	simm.s32 @!p2 $0x0  }
0x1d: {  	s5 =	simm.s32 @p1 $0x1;
	p0 =	seq.s32 s7, s2  }
0x1e: {  	s7 =	smul.u32 @!p0 $0xF7A, s2;
	p2 =	seq.s32 @!p0 s5, $0x0  }
0x1f: {  	s9 =	smul.u32 $0xF7A, s1;
	s8 =	simm.s32 @!p0 $0x1BF5;
	p2 =	por !p2, p0  }
0x20: {  	[sflag:s8] =	ssyncset.s32 @!p0 $0xFFFFF086;
	s6 =	sadd.s32 @!p0 s3, s7;
	s7 =	simm.s32 @!p0 $0x108  }
0x21: {  	s3 =	sadd.s32 s3, s9;
	s6 =	sadd.s32 @!p0 $0x88, s6;
	s7 =	simm.s32 @p2 $0x1082  }
0x22: {  	[simem:s7], [sflag:s8] =	dma.local @!p0 [hbm:s6], $0xF7A  }
0x23: {  	s9 =	sor.u32 $0xD0000000, s2;
	s6 =	simm.s32 $0x108;
	_ =	swait.ge @!p0 [sflag:s8], $0x0  }
0x24: {  	s3 =	sadd.s32 $0x88, s3;
	s6 =	simm.s32 @!p1 $0x1082;
	[sflag:s4] =	ssyncset.s32 $0xFFFFF086  }
0x25: {  	[simem:s6], [sflag:s4] =	dma.local [hbm:s3], $0xF7A  }
0x26: {  	[smem:$0x3F9D] =	sst s1;
	(tag) =	ssettag s2;
	_ =	strace s9  }
0x27: {  	s1 =	sld [smem:$0x3FAD]  }
0x28: {  	s2 =	sld [smem:$0x3FAE]  }
0x29: {  	s4 =	sld [smem:$0x3FB0]  }
0x2a: {  	p0 =	seq.s32 s5, $0x0;
	s5 =	sld [smem:$0x3FB1]  }
0x2b: {  	s6 =	sld [smem:$0x3FB2]  }
0x2c: {  	s7 =	sld [smem:$0x3FB3]  }
0x2d: {  	s3 =	simm.s32 $0x108;
	s8 =	sld [smem:$0x3FB4]  }
0x2e: {  	s3 =	simm.s32 @!p0 $0x1082;
	s9 =	sld [smem:$0x3FB5]  }
0x2f: {  	lr =	sadd.s32 s0, s3;
	s0 =	sld [smem:$0x3FAC]  }
0x30: {  	s3 =	sld [smem:$0x3FAF]  }
0x31: {  	[smem:$0x3FB8] =	sst s10  }
0x32: {  	s10 =	sld [smem:$0x3FB6];
	_ =	sdelay $0x3  }
0x33: {  	p0 =	seq.s32 s10, $0x1;
	s10 =	sld [smem:$0x3FB8];
	_ =	sdelay $0x3  }
0x34: {  	[smem:$0x3FB8] =	sst s10  }
0x35: {  	s10 =	sld [smem:$0x3FB7];
	_ =	sdelay $0x3  }
0x36: {  	p1 =	seq.s32 s10, $0x1;
	s10 =	sld [smem:$0x3FB8];
	_ =	sdelay $0x3  }
0x37: {  	[smem:$0x3FB8] =	sst s10  }
0x38: {  	s10 =	sld [smem:$0x3FB9]  }
0x39: {  	_ = 	snop;
	(pc) =	sbr.ind lr, $3  }
0x3a: {  	_ = 	snop  }
0x3b: {  	_ = 	snop  }
0x3c: {  	p2 =	seq.s32 s10, $0x1;
	s10 =	sld [smem:$0x3FB8]  }
0x3d: {  	_ =	shalt  }
0x3e: {  	_ =	shalt  }
0x3f: {  	_ =	shalt  }
0x40: {  	_ =	shalt  }
0x41: {  	_ =	shalt  }
0x42: {  	_ =	shalt  }
0x43: {  	_ =	shalt  }
0x44: {  	_ =	shalt  }
0x45: {  	_ =	shalt  }
0x46: {  	_ =	shalt  }
0x47: {  	_ =	shalt  }
0x48: {  	_ =	shalt  }
0x49: {  	_ =	shalt  }
0x4a: {  	_ =	shalt  }
0x4b: {  	_ =	shalt  }
0x4c: {  	_ =	shalt  }
0x4d: {  	_ =	shalt  }
0x4e: {  	_ =	shalt  }
0x4f: {  	_ =	shalt  }
0x50: {  	_ =	shalt  }
0x51: {  	_ =	shalt  }
0x52: {  	_ =	shalt  }
0x53: {  	_ =	shalt  }
0x54: {  	_ =	shalt  }
0x55: {  	_ =	shalt  }
0x56: {  	_ =	shalt  }
0x57: {  	_ =	shalt  }
0x58: {  	_ =	shalt  }
0x59: {  	_ =	shalt  }
0x5a: {  	_ =	shalt  }
0x5b: {  	_ =	shalt  }
0x5c: {  	_ =	shalt  }
0x5d: {  	_ =	shalt  }
0x5e: {  	_ =	shalt  }
0x5f: {  	_ =	shalt  }
0x60: {  	_ =	shalt  }
0x61: {  	_ =	shalt  }
0x62: {  	_ =	shalt  }
0x63: {  	_ =	shalt  }
0x64: {  	_ =	shalt  }
0x65: {  	_ =	shalt  }
0x66: {  	_ =	shalt  }
0x67: {  	_ =	shalt  }
0x68: {  	_ =	shalt  }
0x69: {  	_ =	shalt  }
0x6a: {  	_ =	shalt  }
0x6b: {  	_ =	shalt  }
0x6c: {  	_ =	shalt  }
0x6d: {  	_ =	shalt  }
0x6e: {  	_ =	shalt  }
0x6f: {  	_ =	shalt  }
0x70: {  	_ =	shalt  }
0x71: {  	_ =	shalt  }
0x72: {  	_ =	shalt  }
0x73: {  	_ =	shalt  }
0x74: {  	_ =	shalt  }
0x75: {  	_ =	shalt  }
0x76: {  	_ =	shalt  }
0x77: {  	_ =	shalt  }
0x78: {  	_ =	shalt  }
0x79: {  	_ =	shalt  }
0x7a: {  	_ =	shalt  }
0x7b: {  	_ =	shalt  }
0x7c: {  	_ =	shalt  }
0x7d: {  	_ =	shalt  }
0x7e: {  	_ =	shalt  }
0x7f: {  	_ =	shalt  }
0x80: {  	_ =	shalt  }
0x81: {  	_ =	shalt  }
0x82: {  	_ =	shalt  }
0x83: {  	_ =	shalt  }
0x84: {  	_ =	shalt  }
0x85: {  	_ =	shalt  }
0x86: {  	_ =	shalt  }
0x87: {  	_ =	shalt  }
.Lfunc_end0:
.L_simem_size_0:
called_computation_lowered:
.L_overlay_start_0:
0x88: {  	s2 =	sld [smem:$0x3FD9]  }
0x89: {  	s3 =	sld [smem:$0x3FFE];
	_ =	sdelay $0x1  }
0x8a: {  	s1 =	srdreg.scid  }
0x8b: {  	s0 =	sand.u32 $0x1, s1  }
0x8c: {  	s17 =	sshll.u32 s0, $0xA;
	s2 =	sadd.s32 s3, s2  }
0x8d: {  	s2 =	sadd.s32 s2, s17  }
0x8e: {  	[smem:$0x3FC4] =	sst s2  }
0x8f: {  	_ = 	snop  }
0x90: {  	s2 =	sld [smem:$0x3FD0];
	(tm) =	ssettm $0x1  }
0x91: {  	s18 =	sld [smem:$0x3FFB];
	_ =	sdelay $0x3  }
0x92: {  	_ =	strace s18  }
0x93: {  	s3 =	sld [smem:$0x3FFC];
	_ =	sdelay $0x3  }
0x94: {  	_ =	strace s3  }
0x95: {  	s3 =	sld [smem:$0x3FFD];
	_ =	sdelay $0x3  }
0x96: {  	_ =	strace s3  }
0x97: {  	_ =	strace $0x8FFFFFFF  }
0x98: {  	s19 =	sld [smem:$0x3FDB];
	_ =	sdelay $0x1  }
0x99: {  	s4 =	simm.s32 $_scs_section_size  }
0x9a: {  	s5 =	simm.s32 $_size__tile_overlayer_lowered;
	s6 =	simm.s32 $_tile_overlayer_lowered  }
0x9b: {  	s22 =	simm.s32 $0x1BFF;
	s21 =	sshll.u32 s6, $0x1;
	s3 =	sadd.s32 s4, s19  }
0x9c: {  	s7 =	simm.s32 $0x0;
	s20 =	sshll.u32 s5, $0x1;
	s5 =	sadd.s32 s21, s3  }
0x9d: {  	[timem:s7], [sflag:s22] =	dma.local [hbm:s5], s20  }
0x9e: {  	_ =	swait.ge [sflag:s22], s20  }
0x9f: {  	s4 =	ssub.s32 $0x0, s20;
	[sflag:s22] =	ssyncset.done $0x0  }
0xa0: {  	[sflag:s22] =	ssyncadd.s32 s4;
	_ =	sdelay $0x1  }
0xa1: {  	s23 =	simm.s32 $0x1B8B  }
0xa2: {  	_ =	swait.ge [sflag:s23], $0x1  }
0xa3: {  	[sflag:s23] =	ssyncset.done $0x0  }
0xa4: {  	s25 =	simm.s32 $0x1B8E;
	s24 =	sld [smem:$0x3FFE];
	[sflag:s23] =	ssyncadd.s32 $0xFFFFFFFF  }
0xa5: {  	s26 =	simm.s32 $execute0_lowered;
	[smem:$0x3FD2] =	sst s25  }
0xa6: {  	s5 =	sshll.u32 s26, $0x1;
	_ =	strace $0x80000046;
	[dreg:$0x1] =	wrdreg $0xFFFFFFFF  }
0xa7: {  	s28 =	simm.s32 $_size_execute0_lowered;
	s3 =	sadd.s32 s3, s5;
	[dreg:$0x0] =	wrdreg $0x0  }
0xa8: {  	s5 =	sshll.u32 s28, $0x1;
	[dreg:$0x2] =	wrdreg s3  }
0xa9: {  	[dreg:$0x3] =	wrdreg s5  }
0xaa: {  	[dreg:$0x4] =	wrdreg $0xC0  }
0xab: {  	_ =	task [dreg:s7], $0x5FFFF  }
0xac: {  	[dreg:$0x1] =	wrdreg $0xFFFFFFFF  }
0xad: {  	[dreg:$0x0] =	wrdreg $0x60  }
0xae: {  	[dreg:$0x2] =	wrdreg s24  }
0xaf: {  	[dreg:$0x3] =	wrdreg s2  }
0xb0: {  	[dreg:$0x4] =	wrdreg $0x9  }
0xb1: {  	_ =	task.clear_ibuf [dreg:s7], $0x5FFFF;
	_ =	strace $0x90000046  }
0xb2: {  	s29 =	simm.s32 $0x9;
	_ =	strace $0x80000048  }
0xb3: {  	_ =	swait.ge [sflag:s29], $0x1  }
0xb4: {  	[sflag:s29] =	ssyncadd.s32 $0xFFFFFFFF  }
0xb5: {  	_ =	strace $0x90000048  }
0xb6: {  	_ =	sfence  }
0xb7: {  	s30 =	sld [smem:$0x0];
	_ =	sdelay $0x2  }
0xb8: {  	s31 =	sshll.u32 s1, $0xD;
	s1 =	sshrl.u32 s1, $0x2  }
0xb9: {  	s3 =	sand.u32 $0x4000, s31;
	s1 =	sadd.s32 s1, s30  }
0xba: {  	s0 =	sor.u32 s3, s0;
	s1 =	sshll.u32 s1, $0x11  }
0xbb: {  	s0 =	sor.u32 s1, s0  }
0xbc: {  	s0 =	sadd.s32 $0x8F2B, s0  }
0xbd: {  	[sflag:s0] =	ssyncadd.remote.s32 $0x1  }
0xbe: {  	_ =	sfence.sel $0xFFFF  }
0xbf: {  	[dreg:$0x0] =	wrdreg $0xFFFFFFFF;
	(pc) =	sbr.abs _section_cstart, $3  }
0xc0: {  	[dreg:$0x1] =	wrdreg $0xFFFFFFFF  }
0xc1: {  	_ =	task.clear_ibuf [dreg:s7], $0x2FFFF;
	_ =	strace $0x9FFFFFFF  }
0xc2: {  	(tm) =	ssettm $0x7FFFFFFF  }
0xc3: {  	_ =	shalt  }
tec
execute0_lowered:
.L_overlay_start_1:
0x0: {  	(tag) =	ssettag $0x1  }
0x1: {  	s0 =	rddreg [dreg:$0x0]  }
0x2: {  	s1 =	rddreg [dreg:$0x1];
	s5 =	simm.s32 $0x0;
	s2 =	stileid.u32  }
0x3: {  	s3 =	srdreg.scid;
	[smem:$0x7FF] =	sst s5  }
0x4: {  	s7 =	sshrl.u32 s2, $0x1;
	s6 =	sand.u32 $0x1, s3;
	s24 =	sadd.s32 $0xF42C00, s0  }
0x5: {  	s25 =	sadd.s32 $0xB72200, s0;
	s11 =	sshll.u32 s2, $0x1;
	_ =	strace $0x80000047  }
0x6: {  	v0 =	vimm.s32 $0xECA86420;
	s4 =	sshll.u32 s7, $0x6;
	[dreg:$0x3] =	wrdreg s24;
	s9 =	ssub.s32 $0x2, s6  }
0x7: {  	vm0 =	vcmask $0xB08;
	vm1 =	vcmask $0x1310;
	vm2 =	vcmask $0x1B18;
	[dreg:$0x4] =	wrdreg s25;
	s28 =	sand.u32 $0x2, s11;
	s31 =	sshll.u32 s7, $0xC  }
0x8: {  	vm3 =	vcmask $0x300;
	vm4 =	vcmask $0x2320;
	vm5 =	vcmask $0x2B28;
	s8 =	sadd.s32 s4, s0;
	s10 =	sshrl.u32 s9, $0x1;
	s0 =	sadd.s32 $0x7A1800, s0  }
0x9: {  	vm6 =	vcmask $0x3330;
	vm7 =	vcmask $0x3B38;
	v2 =	vlaneseq.u32;
	s29 =	sor.u32 s6, s28;
	s1 =	sadd.s32 s1, s31;
	[dreg:$0x5] =	wrdreg s0  }
0xa: {  	vm8 =	vmmov $0xff;
	vm9 =	vcmask $0x704;
	vm10 =	vcmask $0xF0C;
	s26 =	ssub.s32 s9, s10;
	s30 =	sadd.s32 $0x600, s8;
	s9 =	sshll.u32 s29, $0xA  }
0xb: {  	vm11 =	vcmask $0x1714;
	vm12 =	vcmask $0x1F1C;
	s21 =	simm.s32 $0x0;
	v1 =	vunpack.c.l.s4.s8 v0;
	[dreg:$0x6] =	wrdreg s30;
	s1 =	sadd.s32 s9, s1  }
0xc: {  	vm13 =	vcmask $0x2724;
	vm14 =	vcmask $0x2F2C;
	vm15 =	vcmask $0x3734;
	s2 =	simm.s32 $0x2;
	s0 =	smax.u32 s26, $0x1;
	[dreg:$0x7] =	wrdreg s1  }
0xd: {  	v0 =	vimm.s32 $0x0;
	v2 =	vmul.u32 $0x2, v2;
	v1 =	vunpack.c.0.s8.s32 v1;
	s7 =	sshll.u32 s29, $0x7;
	p0 =	sne.s32 s29, $0x0;
	[dreg:$0x8] =	wrdreg s0  }
.LBB2_1:
0xe: {  	[tilespmem:$0x0] =	vst v0;
	s0 =	rddreg [dreg:$0x6];
	s1 =	simm.s32 $0x8  }
0xf: {  	[tilespmem:s1], [sflag:$0x2] =	stream.linear.gather [hbm4b:s0+s5], $0x200, $0x38;
	[tilespmem:$0x8388] =	vst v63  }
0x10: {  	_ =	swait.ge [sflag:s2], $0x200  }
0x11: {  	[sflag:s2] =	ssyncset.done $0x0  }
0x12: {  	[sflag:s2] =	ssyncadd.s32 $0xFFFFFE00  }
0x13: {  	v3 =	vld [tilespmem:s7+$0x8]  }
0x14: {  	v4 =	vld [tilespmem:s7+$0x7]  }
0x15: {  	v5 =	vld [tilespmem:s7+$0x6]  }
0x16: {  	v6 =	vld [tilespmem:s7+$0x5];
	_ =	sdelay $0x2  }
0x17: {  	v4 =	vmul.u32 $0x1F, v4  }
0x18: {  	v5 =	vmul.u32 $0x3C1, v5  }
0x19: {  	v6 =	vmul.u32 $0x745F, v6;
	v3 =	vadd.s32 v3, v4  }
0x1a: {  	v4 =	vadd.s32 v3, v5  }
0x1b: {  	v5 =	vadd.s32 v4, v6  }
0x1c: {  	(v2sf) =	vpush v5, $0xD;
	_ =	sdelay $0x1  }
0x1d: {  	(v2sf) =	vpush v5, $0xC;
	_ =	sdelay $0x1  }
0x1e: {  	(v2sf) =	vpush v5, $0xE;
	_ =	sdelay $0x1  }
0x1f: {  	(v2sf) =	vpush v5, $0xF;
	_ =	sdelay $0x1  }
0x20: {  	(v2sf) =	vpush v5, $0x9;
	_ =	sdelay $0x1  }
0x21: {  	(v2sf) =	vpush v5, $0x8;
	_ =	sdelay $0x1  }
0x22: {  	(v2sf) =	vpush v5, $0xA;
	_ =	sdelay $0x1  }
0x23: {  	(v2sf) =	vpush v5, $0xB  }
0x24: {  	s10 =	spop (v2sf)  }
0x25: {  	(v2sf) =	vpush v5, $0x0;
	s11 =	smulhi.u32 $0x431BDE83, s10;
	s0 =	sshra.s32 s10, $0x1F  }
0x26: {  	s10 =	spop (v2sf);
	(v2sf) =	vpush v5, $0x1;
	s0 =	smul.u32 $0x431BDE83, s0  }
0x27: {  	s13 =	smulhi.u32 $0x431BDE83, s10;
	s10 =	sshra.s32 s10, $0x1F;
	(v2sf) =	vpush v5, $0x2  }
0x28: {  	s22 =	spop (v2sf);
	s10 =	smul.u32 $0x431BDE83, s10;
	(v2sf) =	vpush v5, $0x3  }
0x29: {  	s23 =	smulhi.u32 $0x431BDE83, s22;
	s22 =	sshra.s32 s22, $0x1F;
	(v2sf) =	vpush v5, $0x4  }
0x2a: {  	s25 =	spop (v2sf);
	s24 =	smul.u32 $0x431BDE83, s22;
	(v2sf) =	vpush v5, $0x5  }
0x2b: {  	s12 =	smulhi.u32 $0x431BDE83, s25;
	s25 =	sshra.s32 s25, $0x1F;
	(v2sf) =	vpush v5, $0x6  }
0x2c: {  	s22 =	sadd.s32 s0, s11;
	s28 =	spop (v2sf);
	s26 =	smul.u32 $0x431BDE83, s25;
	(v2sf) =	vpush v5, $0x7  }
0x2d: {  	s0 =	sshrl.u32 s22, $0x1F;
	s29 =	smulhi.u32 $0x431BDE83, s28;
	s15 =	sshra.s32 s28, $0x1F  }
0x2e: {  	s25 =	sadd.s32 s10, s13;
	s16 =	spop (v2sf);
	s28 =	smul.u32 $0x431BDE83, s15  }
0x2f: {  	s14 =	sshrl.u32 s25, $0x1F;
	s30 =	smulhi.u32 $0x431BDE83, s16;
	s17 =	sshra.s32 s16, $0x1F  }
0x30: {  	s23 =	sadd.s32 s24, s23;
	s18 =	spop (v2sf);
	s31 =	smul.u32 $0x431BDE83, s17  }
0x31: {  	s10 =	sshrl.u32 s23, $0x1F;
	s15 =	smulhi.u32 $0x431BDE83, s18;
	s19 =	sshra.s32 s18, $0x1F  }
0x32: {  	s24 =	sadd.s32 s26, s12;
	s20 =	spop (v2sf);
	s16 =	smul.u32 $0x431BDE83, s19  }
0x33: {  	s13 =	sshrl.u32 s24, $0x1F;
	s2 =	smulhi.u32 $0x431BDE83, s20;
	s8 =	sshra.s32 s20, $0x1F  }
0x34: {  	s26 =	sadd.s32 s28, s29;
	s29 =	smul.u32 $0x431BDE83, s8;
	s17 =	spop (v2sf)  }
0x35: {  	s18 =	smulhi.u32 $0x431BDE83, s17;
	s17 =	sshra.s32 s17, $0x1F;
	s20 =	spop (v2sf)  }
0x36: {  	s1 =	sshrl.u32 s26, $0x1F;
	s17 =	smul.u32 $0x431BDE83, s17;
	s9 =	spop (v2sf)  }
0x37: {  	s11 =	smulhi.u32 $0x431BDE83, s20;
	s20 =	sshra.s32 s20, $0x1F;
	s3 =	spop (v2sf)  }
0x38: {  	s30 =	sadd.s32 s31, s30;
	s20 =	smul.u32 $0x431BDE83, s20;
	s5 =	spop (v2sf)  }
0x39: {  	s6 =	smulhi.u32 $0x431BDE83, s9;
	s8 =	sshra.s32 s9, $0x1F;
	s9 =	spop (v2sf)  }
0x3a: {  	s31 =	sadd.s32 s16, s15;
	s8 =	smul.u32 $0x431BDE83, s8;
	s15 =	spop (v2sf)  }
0x3b: {  	s28 =	sadd.s32 s29, s2;
	s16 =	smulhi.u32 $0x431BDE83, s3;
	s12 =	spop (v2sf)  }
0x3c: {  	s17 =	sadd.s32 s17, s18;
	s19 =	smulhi.u32 $0x431BDE83, s12;
	s29 =	sshra.s32 s12, $0x1F  }
0x3d: {  	s3 =	sshra.s32 s3, $0x1F;
	s2 =	sadd.s32 s20, s11;
	s11 =	smul.u32 $0x431BDE83, s29  }
0x3e: {  	s4 =	sshrl.u32 s30, $0x1F;
	s3 =	smul.u32 $0x431BDE83, s3;
	s18 =	sshrl.u32 s17, $0x1F  }
0x3f: {  	v7 =	vmov s14;
	s6 =	sadd.s32 s8, s6;
	s8 =	sshrl.u32 s28, $0x1F;
	s29 =	sadd.s32 s11, s19  }
0x40: {  	v7 =	vsel vm0, s0, v7;
	s0 =	smulhi.u32 $0x431BDE83, s9;
	s9 =	sshra.s32 s9, $0x1F;
	s20 =	sshra.s32 s29, $0x1F  }
0x41: {  	s3 =	sadd.s32 s3, s16;
	s16 =	smulhi.u32 $0x431BDE83, s5;
	s11 =	sshra.s32 s17, $0x11;
	v6 =	vmov s20  }
0x42: {  	s5 =	sshra.s32 s5, $0x1F;
	s14 =	sshrl.u32 s6, $0x1F;
	s19 =	sshra.s32 s17, $0x1F;
	v6 =	vsel vm3, s11, v6  }
0x43: {  	v7 =	vsel vm1, s10, v7;
	v8 =	vmov s18;
	s9 =	smul.u32 $0x431BDE83, s9;
	s12 =	sshrl.u32 s31, $0x1F;
	s17 =	sshra.s32 s2, $0x11;
	v6 =	vsel vm9, s19, v6  }
0x44: {  	v9 =	vmov s4;
	v8 =	vnsel vm3, $0x0, v8;
	s5 =	smul.u32 $0x431BDE83, s5;
	s20 =	sshrl.u32 s2, $0x1F;
	s2 =	sshra.s32 s2, $0x1F;
	v6 =	vsel vm0, s17, v6  }
0x45: {  	v9 =	vsel vm0, s1, v9;
	s18 =	sshrl.u32 s3, $0x1F;
	s0 =	sadd.s32 s9, s0;
	v8 =	vsel vm0, s20, v8;
	s20 =	sshra.s32 s6, $0x11;
	v6 =	vsel vm10, s2, v6  }
0x46: {  	v9 =	vsel vm1, s12, v9;
	s9 =	sshra.s32 s30, $0x11;
	v8 =	vsel vm1, s14, v8;
	s14 =	sadd.s32 s5, s16;
	s16 =	sshra.s32 s6, $0x1F;
	v6 =	vsel vm1, s20, v6  }
0x47: {  	s12 =	sshra.s32 s26, $0x11;
	v9 =	vsel vm2, s8, v9;
	s8 =	sshra.s32 s25, $0x11;
	v8 =	vsel vm2, s18, v8;
	s18 =	sshra.s32 s3, $0x11;
	v6 =	vsel vm11, s16, v6  }
0x48: {  	v7 =	vsel vm2, s13, v7;
	s11 =	smulhi.u32 $0x431BDE83, s15;
	s19 =	sshra.s32 s15, $0x1F;
	s20 =	sshra.s32 s3, $0x1F;
	v6 =	vsel vm2, s18, v6  }
0x49: {  	v10 =	vmov s9;
	v7 =	vcombine.low v9, v7;
	s15 =	smul.u32 $0x431BDE83, s19;
	s17 =	sshrl.u32 s14, $0x1F;
	s6 =	sshra.s32 s14, $0x11;
	v6 =	vsel vm12, s20, v6  }
0x4a: {  	s13 =	sshra.s32 s0, $0x11;
	v9 =	vmov s8;
	s19 =	sshrl.u32 s0, $0x1F;
	s10 =	sshra.s32 s14, $0x1F;
	v8 =	vsel vm4, s17, v8;
	v6 =	vsel vm4, s6, v6  }
0x4b: {  	v10 =	vsel vm0, s12, v10;
	s5 =	sadd.s32 s15, s11;
	v8 =	vsel vm5, s19, v8;
	s11 =	sshra.s32 s22, $0x11;
	s15 =	sshra.s32 s31, $0x11;
	v6 =	vsel vm13, s10, v6  }
0x4c: {  	s14 =	sshra.s32 s23, $0x11;
	s0 =	sshra.s32 s0, $0x1F;
	s3 =	sshrl.u32 s5, $0x1F;
	v9 =	vsel vm0, s11, v9;
	v10 =	vsel vm1, s15, v10;
	v6 =	vsel vm5, s13, v6  }
0x4d: {  	s17 =	sshra.s32 s28, $0x11;
	s16 =	sshra.s32 s24, $0x11;
	v8 =	vsel vm6, s3, v8;
	v9 =	vsel vm1, s14, v9;
	s18 =	sshra.s32 s5, $0x11;
	v6 =	vsel vm14, s0, v6  }
0x4e: {  	s19 =	sshrl.u32 s29, $0x1F;
	v10 =	vsel vm2, s17, v10;
	v9 =	vsel vm2, s16, v9;
	s20 =	sshra.s32 s5, $0x1F;
	v6 =	vsel vm6, s18, v6  }
0x4f: {  	s22 =	sshra.s32 s29, $0x11;
	v8 =	vsel vm7, s19, v8;
	v9 =	vcombine.low v10, v9;
	v6 =	vsel vm15, s20, v6  }
0x50: {  	v7 =	vperm.xlane v7, v1;
	v8 =	vperm.xlane v8, v2;
	v6 =	vsel vm7, s22, v6  }
0x51: {  	v9 =	vperm.xlane v9, v1;
	v6 =	vperm.xlane v6, v2;
	_ =	sdelay $0x1  }
0x52: {  	v7 =	vsel vm8, v8, v7;
	v6 =	vsel vm8, v6, v9  }
0x53: {  	v6 =	vadd.s32 v7, v6  }
0x54: {  	v6 =	vmul.u32 $0x7A120, v6  }
0x55: {  	[tilespmem:$0x208] =	vst v3  }
0x56: {  	[tilespmem:$0x288] =	vst v4;
	v3 =	vsub.s32 v5, v6  }
0x57: {  	[tilespmem:$0x308] =	vst v3  }
0x58: {  	v3 =	vld [tilespmem:s7+$0x18]  }
0x59: {  	v4 =	vld [tilespmem:s7+$0x17]  }
0x5a: {  	v5 =	vld [tilespmem:s7+$0x16]  }
0x5b: {  	v6 =	vld [tilespmem:s7+$0x15];
	_ =	sdelay $0x2  }
0x5c: {  	v4 =	vmul.u32 $0x1F, v4  }
0x5d: {  	v5 =	vmul.u32 $0x3C1, v5  }
0x5e: {  	v6 =	vmul.u32 $0x745F, v6;
	v3 =	vadd.s32 v3, v4  }
0x5f: {  	v4 =	vadd.s32 v3, v5  }
0x60: {  	v5 =	vadd.s32 v4, v6  }
0x61: {  	(v2sf) =	vpush v5, $0xD;
	_ =	sdelay $0x1  }
0x62: {  	(v2sf) =	vpush v5, $0xC;
	_ =	sdelay $0x1  }
0x63: {  	(v2sf) =	vpush v5, $0xE;
	_ =	sdelay $0x1  }
0x64: {  	(v2sf) =	vpush v5, $0xF;
	_ =	sdelay $0x1  }
0x65: {  	(v2sf) =	vpush v5, $0x9;
	_ =	sdelay $0x1  }
0x66: {  	(v2sf) =	vpush v5, $0x8;
	_ =	sdelay $0x1  }
0x67: {  	(v2sf) =	vpush v5, $0xA;
	_ =	sdelay $0x1  }
0x68: {  	(v2sf) =	vpush v5, $0xB  }
0x69: {  	s23 =	spop (v2sf)  }
0x6a: {  	(v2sf) =	vpush v5, $0x0;
	s24 =	smulhi.u32 $0x431BDE83, s23;
	s0 =	sshra.s32 s23, $0x1F  }
0x6b: {  	(v2sf) =	vpush v5, $0x1;
	s25 =	spop (v2sf);
	s0 =	smul.u32 $0x431BDE83, s0  }
0x6c: {  	(v2sf) =	vpush v5, $0x2;
	s26 =	smulhi.u32 $0x431BDE83, s25;
	s2 =	sshra.s32 s25, $0x1F  }
0x6d: {  	s28 =	spop (v2sf);
	(v2sf) =	vpush v5, $0x3;
	s2 =	smul.u32 $0x431BDE83, s2  }
0x6e: {  	s29 =	smulhi.u32 $0x431BDE83, s28;
	s4 =	sshra.s32 s28, $0x1F;
	(v2sf) =	vpush v5, $0x4  }
0x6f: {  	s30 =	spop (v2sf);
	s4 =	smul.u32 $0x431BDE83, s4;
	(v2sf) =	vpush v5, $0x5  }
0x70: {  	s31 =	smulhi.u32 $0x431BDE83, s30;
	s6 =	sshra.s32 s30, $0x1F;
	(v2sf) =	vpush v5, $0x6  }
0x71: {  	s22 =	sadd.s32 s0, s24;
	s10 =	spop (v2sf);
	s6 =	smul.u32 $0x431BDE83, s6;
	(v2sf) =	vpush v5, $0x7  }
0x72: {  	s0 =	sshrl.u32 s22, $0x1F;
	s11 =	smulhi.u32 $0x431BDE83, s10;
	s12 =	sshra.s32 s10, $0x1F  }
0x73: {  	s25 =	sadd.s32 s2, s26;
	s13 =	spop (v2sf);
	s3 =	smul.u32 $0x431BDE83, s12  }
0x74: {  	s8 =	sshrl.u32 s25, $0x1F;
	s14 =	smulhi.u32 $0x431BDE83, s13;
	s15 =	sshra.s32 s13, $0x1F  }
0x75: {  	s23 =	sadd.s32 s4, s29;
	s16 =	spop (v2sf);
	s5 =	smul.u32 $0x431BDE83, s15  }
0x76: {  	s24 =	sadd.s32 s6, s31;
	s6 =	smulhi.u32 $0x431BDE83, s16;
	s17 =	sshra.s32 s16, $0x1F  }
0x77: {  	s10 =	sshrl.u32 s23, $0x1F;
	s18 =	spop (v2sf);
	s9 =	smul.u32 $0x431BDE83, s17  }
0x78: {  	s13 =	sshrl.u32 s24, $0x1F;
	s2 =	smulhi.u32 $0x431BDE83, s18;
	s19 =	sshra.s32 s18, $0x1F  }
0x79: {  	s26 =	sadd.s32 s3, s11;
	s20 =	spop (v2sf);
	s3 =	smul.u32 $0x431BDE83, s19  }
0x7a: {  	s12 =	smulhi.u32 $0x431BDE83, s20;
	s11 =	sshra.s32 s20, $0x1F;
	s28 =	spop (v2sf)  }
0x7b: {  	s30 =	sadd.s32 s5, s14;
	s29 =	smul.u32 $0x431BDE83, s11;
	s31 =	spop (v2sf)  }
0x7c: {  	s11 =	smulhi.u32 $0x431BDE83, s28;
	s14 =	sshra.s32 s28, $0x1F;
	s15 =	spop (v2sf)  }
0x7d: {  	s1 =	sshrl.u32 s26, $0x1F;
	s14 =	smul.u32 $0x431BDE83, s14;
	s17 =	spop (v2sf)  }
0x7e: {  	s18 =	smulhi.u32 $0x431BDE83, s31;
	s5 =	sshra.s32 s31, $0x1F;
	s20 =	spop (v2sf)  }
0x7f: {  	s31 =	sadd.s32 s9, s6;
	s5 =	smul.u32 $0x431BDE83, s5;
	s6 =	spop (v2sf)  }
0x80: {  	s28 =	sadd.s32 s3, s2;
	s2 =	smulhi.u32 $0x431BDE83, s15;
	s19 =	spop (v2sf)  }
0x81: {  	s4 =	sadd.s32 s29, s12;
	s29 =	smulhi.u32 $0x431BDE83, s19;
	s3 =	sshra.s32 s19, $0x1F  }
0x82: {  	s16 =	sshrl.u32 s30, $0x1F;
	s15 =	sshra.s32 s15, $0x1F;
	s3 =	smul.u32 $0x431BDE83, s3  }
0x83: {  	v9 =	vmov s16;
	s11 =	sadd.s32 s14, s11;
	s14 =	sshrl.u32 s31, $0x1F;
	s12 =	smul.u32 $0x431BDE83, s15  }
0x84: {  	v7 =	vmov s8;
	v9 =	vsel vm0, s1, v9;
	s15 =	sshrl.u32 s28, $0x1F;
	s9 =	smulhi.u32 $0x431BDE83, s17;
	s29 =	sadd.s32 s3, s29  }
0x85: {  	v7 =	vsel vm0, s0, v7;
	v9 =	vsel vm1, s14, v9;
	s5 =	sadd.s32 s5, s18;
	s0 =	smulhi.u32 $0x431BDE83, s20;
	s18 =	sshra.s32 s29, $0x1F  }
0x86: {  	v9 =	vsel vm2, s15, v9;
	s15 =	sshra.s32 s31, $0x11;
	s2 =	sadd.s32 s12, s2;
	s19 =	sshra.s32 s4, $0x11;
	v6 =	vmov s18  }
0x87: {  	s12 =	sshra.s32 s17, $0x1F;
	s3 =	sshrl.u32 s4, $0x1F;
	s4 =	sshra.s32 s4, $0x1F;
	v6 =	vsel vm3, s19, v6  }
0x88: {  	s8 =	smul.u32 $0x431BDE83, s12;
	v8 =	vmov s3;
	s19 =	sshra.s32 s20, $0x1F;
	s20 =	sshra.s32 s11, $0x11;
	v6 =	vsel vm9, s4, v6  }
0x89: {  	v7 =	vsel vm1, s10, v7;
	s17 =	sshrl.u32 s11, $0x1F;
	v8 =	vnsel vm3, $0x0, v8;
	s3 =	smul.u32 $0x431BDE83, s19;
	s19 =	sshra.s32 s11, $0x1F;
	v6 =	vsel vm0, s20, v6  }
0x8a: {  	v7 =	vsel vm2, s13, v7;
	s13 =	sshra.s32 s5, $0x11;
	s16 =	sshra.s32 s5, $0x1F;
	s12 =	sshrl.u32 s5, $0x1F;
	v8 =	vsel vm0, s17, v8;
	v6 =	vsel vm10, s19, v6  }
0x8b: {  	s8 =	sadd.s32 s8, s9;
	s9 =	sshra.s32 s30, $0x11;
	s18 =	sshrl.u32 s2, $0x1F;
	v8 =	vsel vm1, s12, v8;
	v6 =	vsel vm1, s13, v6  }
0x8c: {  	s20 =	smulhi.u32 $0x431BDE83, s6;
	s6 =	sshra.s32 s6, $0x1F;
	v8 =	vsel vm2, s18, v8;
	s18 =	sshra.s32 s2, $0x11;
	v6 =	vsel vm11, s16, v6  }
0x8d: {  	s5 =	sshra.s32 s8, $0x11;
	s2 =	sshra.s32 s2, $0x1F;
	s6 =	smul.u32 $0x431BDE83, s6;
	v6 =	vsel vm2, s18, v6  }
0x8e: {  	v7 =	vcombine.low v9, v7;
	s10 =	sshra.s32 s8, $0x1F;
	v10 =	vmov s9;
	s17 =	sshrl.u32 s8, $0x1F;
	s12 =	sshra.s32 s26, $0x11;
	v6 =	vsel vm12, s2, v6  }
0x8f: {  	v10 =	vsel vm0, s12, v10;
	s0 =	sadd.s32 s3, s0;
	v8 =	vsel vm4, s17, v8;
	s20 =	sadd.s32 s6, s20;
	s6 =	sshra.s32 s25, $0x11;
	v6 =	vsel vm4, s5, v6  }
0x90: {  	s11 =	sshra.s32 s22, $0x11;
	v10 =	vsel vm1, s15, v10;
	s17 =	sshra.s32 s28, $0x11;
	s13 =	sshra.s32 s0, $0x11;
	v9 =	vmov s6;
	v6 =	vsel vm13, s10, v6  }
0x91: {  	s14 =	sshra.s32 s23, $0x11;
	s19 =	sshrl.u32 s0, $0x1F;
	s0 =	sshra.s32 s0, $0x1F;
	v10 =	vsel vm2, s17, v10;
	v9 =	vsel vm0, s11, v9;
	v6 =	vsel vm5, s13, v6  }
0x92: {  	v8 =	vsel vm5, s19, v8;
	s16 =	sshra.s32 s24, $0x11;
	s3 =	sshrl.u32 s20, $0x1F;
	s18 =	sshra.s32 s20, $0x11;
	v9 =	vsel vm1, s14, v9;
	v6 =	vsel vm14, s0, v6  }
0x93: {  	s19 =	sshrl.u32 s29, $0x1F;
	s20 =	sshra.s32 s20, $0x1F;
	v8 =	vsel vm6, s3, v8;
	v9 =	vsel vm2, s16, v9;
	v6 =	vsel vm6, s18, v6  }
0x94: {  	s22 =	sshra.s32 s29, $0x11;
	v8 =	vsel vm7, s19, v8;
	v9 =	vcombine.low v10, v9;
	v6 =	vsel vm15, s20, v6  }
0x95: {  	v7 =	vperm.xlane v7, v1;
	v8 =	vperm.xlane v8, v2;
	v6 =	vsel vm7, s22, v6  }
0x96: {  	v9 =	vperm.xlane v9, v1;
	v6 =	vperm.xlane v6, v2;
	_ =	sdelay $0x1  }
0x97: {  	v7 =	vsel vm8, v8, v7;
	v6 =	vsel vm8, v6, v9  }
0x98: {  	v6 =	vadd.s32 v7, v6  }
0x99: {  	v6 =	vmul.u32 $0x7A120, v6  }
0x9a: {  	[tilespmem:$0x218] =	vst v3  }
0x9b: {  	[tilespmem:$0x298] =	vst v4;
	v3 =	vsub.s32 v5, v6  }
0x9c: {  	[tilespmem:$0x318] =	vst v3  }
0x9d: {  	v3 =	vld [tilespmem:s7+$0x28]  }
0x9e: {  	v4 =	vld [tilespmem:s7+$0x27]  }
0x9f: {  	v5 =	vld [tilespmem:s7+$0x26]  }
0xa0: {  	v6 =	vld [tilespmem:s7+$0x25];
	_ =	sdelay $0x2  }
0xa1: {  	v4 =	vmul.u32 $0x1F, v4  }
0xa2: {  	v5 =	vmul.u32 $0x3C1, v5  }
0xa3: {  	v6 =	vmul.u32 $0x745F, v6;
	v3 =	vadd.s32 v3, v4  }
0xa4: {  	v4 =	vadd.s32 v3, v5  }
0xa5: {  	v5 =	vadd.s32 v4, v6  }
0xa6: {  	(v2sf) =	vpush v5, $0xD;
	_ =	sdelay $0x1  }
0xa7: {  	(v2sf) =	vpush v5, $0xC;
	_ =	sdelay $0x1  }
0xa8: {  	(v2sf) =	vpush v5, $0xE;
	_ =	sdelay $0x1  }
0xa9: {  	(v2sf) =	vpush v5, $0xF;
	_ =	sdelay $0x1  }
0xaa: {  	(v2sf) =	vpush v5, $0x9;
	_ =	sdelay $0x1  }
0xab: {  	(v2sf) =	vpush v5, $0x8;
	_ =	sdelay $0x1  }
0xac: {  	(v2sf) =	vpush v5, $0xA;
	_ =	sdelay $0x1  }
0xad: {  	(v2sf) =	vpush v5, $0xB  }
0xae: {  	s23 =	spop (v2sf)  }
0xaf: {  	(v2sf) =	vpush v5, $0x0;
	s24 =	smulhi.u32 $0x431BDE83, s23;
	s0 =	sshra.s32 s23, $0x1F  }
0xb0: {  	(v2sf) =	vpush v5, $0x1;
	s25 =	spop (v2sf);
	s0 =	smul.u32 $0x431BDE83, s0  }
0xb1: {  	(v2sf) =	vpush v5, $0x2;
	s26 =	smulhi.u32 $0x431BDE83, s25;
	s2 =	sshra.s32 s25, $0x1F  }
0xb2: {  	s28 =	spop (v2sf);
	(v2sf) =	vpush v5, $0x3;
	s2 =	smul.u32 $0x431BDE83, s2  }
0xb3: {  	s29 =	smulhi.u32 $0x431BDE83, s28;
	s4 =	sshra.s32 s28, $0x1F;
	(v2sf) =	vpush v5, $0x4  }
0xb4: {  	s30 =	spop (v2sf);
	s4 =	smul.u32 $0x431BDE83, s4;
	(v2sf) =	vpush v5, $0x5  }
0xb5: {  	s31 =	smulhi.u32 $0x431BDE83, s30;
	s6 =	sshra.s32 s30, $0x1F;
	(v2sf) =	vpush v5, $0x6  }
0xb6: {  	s22 =	sadd.s32 s0, s24;
	s10 =	spop (v2sf);
	s6 =	smul.u32 $0x431BDE83, s6;
	(v2sf) =	vpush v5, $0x7  }
0xb7: {  	s0 =	sshrl.u32 s22, $0x1F;
	s11 =	smulhi.u32 $0x431BDE83, s10;
	s12 =	sshra.s32 s10, $0x1F  }
0xb8: {  	s25 =	sadd.s32 s2, s26;
	s13 =	spop (v2sf);
	s3 =	smul.u32 $0x431BDE83, s12  }
0xb9: {  	s8 =	sshrl.u32 s25, $0x1F;
	s14 =	smulhi.u32 $0x431BDE83, s13;
	s15 =	sshra.s32 s13, $0x1F  }
0xba: {  	s23 =	sadd.s32 s4, s29;
	s16 =	spop (v2sf);
	s5 =	smul.u32 $0x431BDE83, s15  }
0xbb: {  	s24 =	sadd.s32 s6, s31;
	s6 =	smulhi.u32 $0x431BDE83, s16;
	s17 =	sshra.s32 s16, $0x1F  }
0xbc: {  	s10 =	sshrl.u32 s23, $0x1F;
	s18 =	spop (v2sf);
	s9 =	smul.u32 $0x431BDE83, s17  }
0xbd: {  	s13 =	sshrl.u32 s24, $0x1F;
	s2 =	smulhi.u32 $0x431BDE83, s18;
	s19 =	sshra.s32 s18, $0x1F  }
0xbe: {  	s26 =	sadd.s32 s3, s11;
	s20 =	spop (v2sf);
	s3 =	smul.u32 $0x431BDE83, s19  }
0xbf: {  	s12 =	smulhi.u32 $0x431BDE83, s20;
	s11 =	sshra.s32 s20, $0x1F;
	s28 =	spop (v2sf)  }
0xc0: {  	s30 =	sadd.s32 s5, s14;
	s29 =	smul.u32 $0x431BDE83, s11;
	s31 =	spop (v2sf)  }
0xc1: {  	s11 =	smulhi.u32 $0x431BDE83, s28;
	s14 =	sshra.s32 s28, $0x1F;
	s15 =	spop (v2sf)  }
0xc2: {  	s1 =	sshrl.u32 s26, $0x1F;
	s14 =	smul.u32 $0x431BDE83, s14;
	s17 =	spop (v2sf)  }
0xc3: {  	s18 =	smulhi.u32 $0x431BDE83, s31;
	s5 =	sshra.s32 s31, $0x1F;
	s20 =	spop (v2sf)  }
0xc4: {  	s31 =	sadd.s32 s9, s6;
	s5 =	smul.u32 $0x431BDE83, s5;
	s6 =	spop (v2sf)  }
0xc5: {  	s28 =	sadd.s32 s3, s2;
	s2 =	smulhi.u32 $0x431BDE83, s15;
	s19 =	spop (v2sf)  }
0xc6: {  	s4 =	sadd.s32 s29, s12;
	s29 =	smulhi.u32 $0x431BDE83, s19;
	s3 =	sshra.s32 s19, $0x1F  }
0xc7: {  	s16 =	sshrl.u32 s30, $0x1F;
	s15 =	sshra.s32 s15, $0x1F;
	s3 =	smul.u32 $0x431BDE83, s3  }
0xc8: {  	v9 =	vmov s16;
	s11 =	sadd.s32 s14, s11;
	s14 =	sshrl.u32 s31, $0x1F;
	s12 =	smul.u32 $0x431BDE83, s15  }
0xc9: {  	v7 =	vmov s8;
	v9 =	vsel vm0, s1, v9;
	s15 =	sshrl.u32 s28, $0x1F;
	s9 =	smulhi.u32 $0x431BDE83, s17;
	s29 =	sadd.s32 s3, s29  }
0xca: {  	v7 =	vsel vm0, s0, v7;
	v9 =	vsel vm1, s14, v9;
	s5 =	sadd.s32 s5, s18;
	s0 =	smulhi.u32 $0x431BDE83, s20;
	s18 =	sshra.s32 s29, $0x1F  }
0xcb: {  	v9 =	vsel vm2, s15, v9;
	s15 =	sshra.s32 s31, $0x11;
	s2 =	sadd.s32 s12, s2;
	s19 =	sshra.s32 s4, $0x11;
	v6 =	vmov s18  }
0xcc: {  	s12 =	sshra.s32 s17, $0x1F;
	s3 =	sshrl.u32 s4, $0x1F;
	s4 =	sshra.s32 s4, $0x1F;
	v6 =	vsel vm3, s19, v6  }
0xcd: {  	s8 =	smul.u32 $0x431BDE83, s12;
	v8 =	vmov s3;
	s19 =	sshra.s32 s20, $0x1F;
	s20 =	sshra.s32 s11, $0x11;
	v6 =	vsel vm9, s4, v6  }
0xce: {  	v7 =	vsel vm1, s10, v7;
	s17 =	sshrl.u32 s11, $0x1F;
	v8 =	vnsel vm3, $0x0, v8;
	s3 =	smul.u32 $0x431BDE83, s19;
	s19 =	sshra.s32 s11, $0x1F;
	v6 =	vsel vm0, s20, v6  }
0xcf: {  	v7 =	vsel vm2, s13, v7;
	s13 =	sshra.s32 s5, $0x11;
	s16 =	sshra.s32 s5, $0x1F;
	s12 =	sshrl.u32 s5, $0x1F;
	v8 =	vsel vm0, s17, v8;
	v6 =	vsel vm10, s19, v6  }
0xd0: {  	s8 =	sadd.s32 s8, s9;
	s9 =	sshra.s32 s30, $0x11;
	s18 =	sshrl.u32 s2, $0x1F;
	v8 =	vsel vm1, s12, v8;
	v6 =	vsel vm1, s13, v6  }
0xd1: {  	s20 =	smulhi.u32 $0x431BDE83, s6;
	s6 =	sshra.s32 s6, $0x1F;
	v8 =	vsel vm2, s18, v8;
	s18 =	sshra.s32 s2, $0x11;
	v6 =	vsel vm11, s16, v6  }
0xd2: {  	s5 =	sshra.s32 s8, $0x11;
	s2 =	sshra.s32 s2, $0x1F;
	s6 =	smul.u32 $0x431BDE83, s6;
	v6 =	vsel vm2, s18, v6  }
0xd3: {  	v7 =	vcombine.low v9, v7;
	s10 =	sshra.s32 s8, $0x1F;
	v10 =	vmov s9;
	s17 =	sshrl.u32 s8, $0x1F;
	s12 =	sshra.s32 s26, $0x11;
	v6 =	vsel vm12, s2, v6  }
0xd4: {  	v10 =	vsel vm0, s12, v10;
	s0 =	sadd.s32 s3, s0;
	v8 =	vsel vm4, s17, v8;
	s20 =	sadd.s32 s6, s20;
	s6 =	sshra.s32 s25, $0x11;
	v6 =	vsel vm4, s5, v6  }
0xd5: {  	s11 =	sshra.s32 s22, $0x11;
	v10 =	vsel vm1, s15, v10;
	s17 =	sshra.s32 s28, $0x11;
	s13 =	sshra.s32 s0, $0x11;
	v9 =	vmov s6;
	v6 =	vsel vm13, s10, v6  }
0xd6: {  	s14 =	sshra.s32 s23, $0x11;
	s19 =	sshrl.u32 s0, $0x1F;
	s0 =	sshra.s32 s0, $0x1F;
	v10 =	vsel vm2, s17, v10;
	v9 =	vsel vm0, s11, v9;
	v6 =	vsel vm5, s13, v6  }
0xd7: {  	v8 =	vsel vm5, s19, v8;
	s16 =	sshra.s32 s24, $0x11;
	s3 =	sshrl.u32 s20, $0x1F;
	s18 =	sshra.s32 s20, $0x11;
	v9 =	vsel vm1, s14, v9;
	v6 =	vsel vm14, s0, v6  }
0xd8: {  	s19 =	sshrl.u32 s29, $0x1F;
	s20 =	sshra.s32 s20, $0x1F;
	v8 =	vsel vm6, s3, v8;
	v9 =	vsel vm2, s16, v9;
	v6 =	vsel vm6, s18, v6  }
0xd9: {  	s22 =	sshra.s32 s29, $0x11;
	v8 =	vsel vm7, s19, v8;
	v9 =	vcombine.low v10, v9;
	v6 =	vsel vm15, s20, v6  }
0xda: {  	v7 =	vperm.xlane v7, v1;
	v8 =	vperm.xlane v8, v2;
	v6 =	vsel vm7, s22, v6  }
0xdb: {  	v9 =	vperm.xlane v9, v1;
	v6 =	vperm.xlane v6, v2;
	_ =	sdelay $0x1  }
0xdc: {  	v7 =	vsel vm8, v8, v7;
	v6 =	vsel vm8, v6, v9  }
0xdd: {  	v6 =	vadd.s32 v7, v6  }
0xde: {  	v6 =	vmul.u32 $0x7A120, v6  }
0xdf: {  	[tilespmem:$0x228] =	vst v3  }
0xe0: {  	[tilespmem:$0x2A8] =	vst v4;
	v3 =	vsub.s32 v5, v6  }
0xe1: {  	[tilespmem:$0x328] =	vst v3  }
0xe2: {  	v3 =	vld [tilespmem:s7+$0x38]  }
0xe3: {  	v4 =	vld [tilespmem:s7+$0x37]  }
0xe4: {  	v5 =	vld [tilespmem:s7+$0x36]  }
0xe5: {  	v6 =	vld [tilespmem:s7+$0x35];
	_ =	sdelay $0x2  }
0xe6: {  	v4 =	vmul.u32 $0x1F, v4  }
0xe7: {  	v5 =	vmul.u32 $0x3C1, v5  }
0xe8: {  	v6 =	vmul.u32 $0x745F, v6;
	v3 =	vadd.s32 v3, v4  }
0xe9: {  	v4 =	vadd.s32 v3, v5  }
0xea: {  	v5 =	vadd.s32 v4, v6  }
0xeb: {  	(v2sf) =	vpush v5, $0xD;
	_ =	sdelay $0x1  }
0xec: {  	(v2sf) =	vpush v5, $0xC;
	_ =	sdelay $0x1  }
0xed: {  	(v2sf) =	vpush v5, $0xE;
	_ =	sdelay $0x1  }
0xee: {  	(v2sf) =	vpush v5, $0xF;
	_ =	sdelay $0x1  }
0xef: {  	(v2sf) =	vpush v5, $0x9;
	_ =	sdelay $0x1  }
0xf0: {  	(v2sf) =	vpush v5, $0x8;
	_ =	sdelay $0x1  }
0xf1: {  	(v2sf) =	vpush v5, $0xA;
	_ =	sdelay $0x1  }
0xf2: {  	(v2sf) =	vpush v5, $0xB  }
0xf3: {  	s23 =	spop (v2sf)  }
0xf4: {  	(v2sf) =	vpush v5, $0x0;
	s24 =	smulhi.u32 $0x431BDE83, s23;
	s0 =	sshra.s32 s23, $0x1F  }
0xf5: {  	(v2sf) =	vpush v5, $0x1;
	s25 =	spop (v2sf);
	s0 =	smul.u32 $0x431BDE83, s0  }
0xf6: {  	(v2sf) =	vpush v5, $0x2;
	s26 =	smulhi.u32 $0x431BDE83, s25;
	s2 =	sshra.s32 s25, $0x1F  }
0xf7: {  	s28 =	spop (v2sf);
	(v2sf) =	vpush v5, $0x3;
	s2 =	smul.u32 $0x431BDE83, s2  }
0xf8: {  	s29 =	smulhi.u32 $0x431BDE83, s28;
	s4 =	sshra.s32 s28, $0x1F;
	(v2sf) =	vpush v5, $0x4  }
0xf9: {  	s30 =	spop (v2sf);
	s4 =	smul.u32 $0x431BDE83, s4;
	(v2sf) =	vpush v5, $0x5  }
0xfa: {  	s31 =	smulhi.u32 $0x431BDE83, s30;
	s6 =	sshra.s32 s30, $0x1F;
	(v2sf) =	vpush v5, $0x6  }
0xfb: {  	s22 =	sadd.s32 s0, s24;
	s10 =	spop (v2sf);
	s6 =	smul.u32 $0x431BDE83, s6;
	(v2sf) =	vpush v5, $0x7  }
0xfc: {  	s0 =	sshrl.u32 s22, $0x1F;
	s11 =	smulhi.u32 $0x431BDE83, s10;
	s12 =	sshra.s32 s10, $0x1F  }
0xfd: {  	s25 =	sadd.s32 s2, s26;
	s13 =	spop (v2sf);
	s3 =	smul.u32 $0x431BDE83, s12  }
0xfe: {  	s8 =	sshrl.u32 s25, $0x1F;
	s14 =	smulhi.u32 $0x431BDE83, s13;
	s15 =	sshra.s32 s13, $0x1F  }
0xff: {  	s23 =	sadd.s32 s4, s29;
	s16 =	spop (v2sf);
	s5 =	smul.u32 $0x431BDE83, s15  }
0x100: {  	s24 =	sadd.s32 s6, s31;
	s6 =	smulhi.u32 $0x431BDE83, s16;
	s17 =	sshra.s32 s16, $0x1F  }
0x101: {  	s10 =	sshrl.u32 s23, $0x1F;
	s18 =	spop (v2sf);
	s9 =	smul.u32 $0x431BDE83, s17  }
0x102: {  	s13 =	sshrl.u32 s24, $0x1F;
	s2 =	smulhi.u32 $0x431BDE83, s18;
	s19 =	sshra.s32 s18, $0x1F  }
0x103: {  	s26 =	sadd.s32 s3, s11;
	s20 =	spop (v2sf);
	s3 =	smul.u32 $0x431BDE83, s19  }
0x104: {  	s12 =	smulhi.u32 $0x431BDE83, s20;
	s11 =	sshra.s32 s20, $0x1F;
	s28 =	spop (v2sf)  }
0x105: {  	s30 =	sadd.s32 s5, s14;
	s29 =	smul.u32 $0x431BDE83, s11;
	s31 =	spop (v2sf)  }
0x106: {  	s11 =	smulhi.u32 $0x431BDE83, s28;
	s14 =	sshra.s32 s28, $0x1F;
	s15 =	spop (v2sf)  }
0x107: {  	s1 =	sshrl.u32 s26, $0x1F;
	s14 =	smul.u32 $0x431BDE83, s14;
	s17 =	spop (v2sf)  }
0x108: {  	s18 =	smulhi.u32 $0x431BDE83, s31;
	s5 =	sshra.s32 s31, $0x1F;
	s20 =	spop (v2sf)  }
0x109: {  	s31 =	sadd.s32 s9, s6;
	s5 =	smul.u32 $0x431BDE83, s5;
	s6 =	spop (v2sf)  }
0x10a: {  	s28 =	sadd.s32 s3, s2;
	s2 =	smulhi.u32 $0x431BDE83, s15;
	s19 =	spop (v2sf)  }
0x10b: {  	s4 =	sadd.s32 s29, s12;
	s29 =	smulhi.u32 $0x431BDE83, s19;
	s3 =	sshra.s32 s19, $0x1F  }
0x10c: {  	s16 =	sshrl.u32 s30, $0x1F;
	s15 =	sshra.s32 s15, $0x1F;
	s3 =	smul.u32 $0x431BDE83, s3  }
0x10d: {  	v9 =	vmov s16;
	s11 =	sadd.s32 s14, s11;
	s14 =	sshrl.u32 s31, $0x1F;
	s12 =	smul.u32 $0x431BDE83, s15  }
0x10e: {  	v7 =	vmov s8;
	v9 =	vsel vm0, s1, v9;
	s15 =	sshrl.u32 s28, $0x1F;
	s9 =	smulhi.u32 $0x431BDE83, s17;
	s29 =	sadd.s32 s3, s29  }
0x10f: {  	v7 =	vsel vm0, s0, v7;
	v9 =	vsel vm1, s14, v9;
	s5 =	sadd.s32 s5, s18;
	s0 =	smulhi.u32 $0x431BDE83, s20;
	s18 =	sshra.s32 s29, $0x1F  }
0x110: {  	v9 =	vsel vm2, s15, v9;
	s15 =	sshra.s32 s31, $0x11;
	s2 =	sadd.s32 s12, s2;
	s19 =	sshra.s32 s4, $0x11;
	v6 =	vmov s18  }
0x111: {  	s12 =	sshra.s32 s17, $0x1F;
	s3 =	sshrl.u32 s4, $0x1F;
	s4 =	sshra.s32 s4, $0x1F;
	v6 =	vsel vm3, s19, v6  }
0x112: {  	s8 =	smul.u32 $0x431BDE83, s12;
	v8 =	vmov s3;
	s19 =	sshra.s32 s20, $0x1F;
	s20 =	sshra.s32 s11, $0x11;
	v6 =	vsel vm9, s4, v6  }
0x113: {  	v7 =	vsel vm1, s10, v7;
	s17 =	sshrl.u32 s11, $0x1F;
	v8 =	vnsel vm3, $0x0, v8;
	s3 =	smul.u32 $0x431BDE83, s19;
	s19 =	sshra.s32 s11, $0x1F;
	v6 =	vsel vm0, s20, v6  }
0x114: {  	v7 =	vsel vm2, s13, v7;
	s13 =	sshra.s32 s5, $0x11;
	s16 =	sshra.s32 s5, $0x1F;
	s12 =	sshrl.u32 s5, $0x1F;
	v8 =	vsel vm0, s17, v8;
	v6 =	vsel vm10, s19, v6  }
0x115: {  	s8 =	sadd.s32 s8, s9;
	s9 =	sshra.s32 s30, $0x11;
	s18 =	sshrl.u32 s2, $0x1F;
	v8 =	vsel vm1, s12, v8;
	v6 =	vsel vm1, s13, v6  }
0x116: {  	s20 =	smulhi.u32 $0x431BDE83, s6;
	s6 =	sshra.s32 s6, $0x1F;
	v8 =	vsel vm2, s18, v8;
	s18 =	sshra.s32 s2, $0x11;
	v6 =	vsel vm11, s16, v6  }
0x117: {  	s5 =	sshra.s32 s8, $0x11;
	s2 =	sshra.s32 s2, $0x1F;
	s6 =	smul.u32 $0x431BDE83, s6;
	v6 =	vsel vm2, s18, v6  }
0x118: {  	v7 =	vcombine.low v9, v7;
	s10 =	sshra.s32 s8, $0x1F;
	v10 =	vmov s9;
	s17 =	sshrl.u32 s8, $0x1F;
	s12 =	sshra.s32 s26, $0x11;
	v6 =	vsel vm12, s2, v6  }
0x119: {  	v10 =	vsel vm0, s12, v10;
	s0 =	sadd.s32 s3, s0;
	v8 =	vsel vm4, s17, v8;
	s20 =	sadd.s32 s6, s20;
	s6 =	sshra.s32 s25, $0x11;
	v6 =	vsel vm4, s5, v6  }
0x11a: {  	s11 =	sshra.s32 s22, $0x11;
	v10 =	vsel vm1, s15, v10;
	s17 =	sshra.s32 s28, $0x11;
	s13 =	sshra.s32 s0, $0x11;
	v9 =	vmov s6;
	v6 =	vsel vm13, s10, v6  }
0x11b: {  	s14 =	sshra.s32 s23, $0x11;
	s19 =	sshrl.u32 s0, $0x1F;
	s0 =	sshra.s32 s0, $0x1F;
	v10 =	vsel vm2, s17, v10;
	v9 =	vsel vm0, s11, v9;
	v6 =	vsel vm5, s13, v6  }
0x11c: {  	v8 =	vsel vm5, s19, v8;
	s16 =	sshra.s32 s24, $0x11;
	s3 =	sshrl.u32 s20, $0x1F;
	s18 =	sshra.s32 s20, $0x11;
	v9 =	vsel vm1, s14, v9;
	v6 =	vsel vm14, s0, v6  }
0x11d: {  	s19 =	sshrl.u32 s29, $0x1F;
	s20 =	sshra.s32 s20, $0x1F;
	v8 =	vsel vm6, s3, v8;
	v9 =	vsel vm2, s16, v9;
	v6 =	vsel vm6, s18, v6  }
0x11e: {  	s22 =	sshra.s32 s29, $0x11;
	v8 =	vsel vm7, s19, v8;
	v9 =	vcombine.low v10, v9;
	v6 =	vsel vm15, s20, v6  }
0x11f: {  	v7 =	vperm.xlane v7, v1;
	v8 =	vperm.xlane v8, v2;
	v6 =	vsel vm7, s22, v6  }
0x120: {  	v9 =	vperm.xlane v9, v1;
	v6 =	vperm.xlane v6, v2;
	_ =	sdelay $0x1  }
0x121: {  	v7 =	vsel vm8, v8, v7;
	v6 =	vsel vm8, v6, v9  }
0x122: {  	v6 =	vadd.s32 v7, v6  }
0x123: {  	v6 =	vmul.u32 $0x7A120, v6  }
0x124: {  	[tilespmem:$0x238] =	vst v3  }
0x125: {  	[tilespmem:$0x2B8] =	vst v4;
	v3 =	vsub.s32 v5, v6  }
0x126: {  	[tilespmem:$0x338] =	vst v3  }
0x127: {  	v3 =	vld [tilespmem:s7+$0x48]  }
0x128: {  	v4 =	vld [tilespmem:s7+$0x47]  }
0x129: {  	v5 =	vld [tilespmem:s7+$0x46]  }
0x12a: {  	v6 =	vld [tilespmem:s7+$0x45];
	_ =	sdelay $0x2  }
0x12b: {  	v4 =	vmul.u32 $0x1F, v4  }
0x12c: {  	v5 =	vmul.u32 $0x3C1, v5  }
0x12d: {  	v6 =	vmul.u32 $0x745F, v6;
	v3 =	vadd.s32 v3, v4  }
0x12e: {  	v4 =	vadd.s32 v3, v5  }
0x12f: {  	v5 =	vadd.s32 v4, v6  }
0x130: {  	(v2sf) =	vpush v5, $0xD;
	_ =	sdelay $0x1  }
0x131: {  	(v2sf) =	vpush v5, $0xC;
	_ =	sdelay $0x1  }
0x132: {  	(v2sf) =	vpush v5, $0xE;
	_ =	sdelay $0x1  }
0x133: {  	(v2sf) =	vpush v5, $0xF;
	_ =	sdelay $0x1  }
0x134: {  	(v2sf) =	vpush v5, $0x9;
	_ =	sdelay $0x1  }
0x135: {  	(v2sf) =	vpush v5, $0x8;
	_ =	sdelay $0x1  }
0x136: {  	(v2sf) =	vpush v5, $0xA;
	_ =	sdelay $0x1  }
0x137: {  	(v2sf) =	vpush v5, $0xB  }
0x138: {  	s23 =	spop (v2sf)  }
0x139: {  	(v2sf) =	vpush v5, $0x0;
	s24 =	smulhi.u32 $0x431BDE83, s23;
	s0 =	sshra.s32 s23, $0x1F  }
0x13a: {  	(v2sf) =	vpush v5, $0x1;
	s25 =	spop (v2sf);
	s0 =	smul.u32 $0x431BDE83, s0  }
0x13b: {  	(v2sf) =	vpush v5, $0x2;
	s26 =	smulhi.u32 $0x431BDE83, s25;
	s2 =	sshra.s32 s25, $0x1F  }
0x13c: {  	s28 =	spop (v2sf);
	(v2sf) =	vpush v5, $0x3;
	s2 =	smul.u32 $0x431BDE83, s2  }
0x13d: {  	s29 =	smulhi.u32 $0x431BDE83, s28;
	s4 =	sshra.s32 s28, $0x1F;
	(v2sf) =	vpush v5, $0x4  }
0x13e: {  	s30 =	spop (v2sf);
	s4 =	smul.u32 $0x431BDE83, s4;
	(v2sf) =	vpush v5, $0x5  }
0x13f: {  	s31 =	smulhi.u32 $0x431BDE83, s30;
	s6 =	sshra.s32 s30, $0x1F;
	(v2sf) =	vpush v5, $0x6  }
0x140: {  	s22 =	sadd.s32 s0, s24;
	s10 =	spop (v2sf);
	s6 =	smul.u32 $0x431BDE83, s6;
	(v2sf) =	vpush v5, $0x7  }
0x141: {  	s0 =	sshrl.u32 s22, $0x1F;
	s11 =	smulhi.u32 $0x431BDE83, s10;
	s12 =	sshra.s32 s10, $0x1F  }
0x142: {  	s25 =	sadd.s32 s2, s26;
	s13 =	spop (v2sf);
	s3 =	smul.u32 $0x431BDE83, s12  }
0x143: {  	s8 =	sshrl.u32 s25, $0x1F;
	s14 =	smulhi.u32 $0x431BDE83, s13;
	s15 =	sshra.s32 s13, $0x1F  }
0x144: {  	s23 =	sadd.s32 s4, s29;
	s16 =	spop (v2sf);
	s5 =	smul.u32 $0x431BDE83, s15  }
0x145: {  	s24 =	sadd.s32 s6, s31;
	s6 =	smulhi.u32 $0x431BDE83, s16;
	s17 =	sshra.s32 s16, $0x1F  }
0x146: {  	s10 =	sshrl.u32 s23, $0x1F;
	s18 =	spop (v2sf);
	s9 =	smul.u32 $0x431BDE83, s17  }
0x147: {  	s13 =	sshrl.u32 s24, $0x1F;
	s2 =	smulhi.u32 $0x431BDE83, s18;
	s19 =	sshra.s32 s18, $0x1F  }
0x148: {  	s26 =	sadd.s32 s3, s11;
	s20 =	spop (v2sf);
	s3 =	smul.u32 $0x431BDE83, s19  }
0x149: {  	s12 =	smulhi.u32 $0x431BDE83, s20;
	s11 =	sshra.s32 s20, $0x1F;
	s28 =	spop (v2sf)  }
0x14a: {  	s30 =	sadd.s32 s5, s14;
	s29 =	smul.u32 $0x431BDE83, s11;
	s31 =	spop (v2sf)  }
0x14b: {  	s11 =	smulhi.u32 $0x431BDE83, s28;
	s14 =	sshra.s32 s28, $0x1F;
	s15 =	spop (v2sf)  }
0x14c: {  	s1 =	sshrl.u32 s26, $0x1F;
	s14 =	smul.u32 $0x431BDE83, s14;
	s17 =	spop (v2sf)  }
0x14d: {  	s18 =	smulhi.u32 $0x431BDE83, s31;
	s5 =	sshra.s32 s31, $0x1F;
	s20 =	spop (v2sf)  }
0x14e: {  	s31 =	sadd.s32 s9, s6;
	s5 =	smul.u32 $0x431BDE83, s5;
	s6 =	spop (v2sf)  }
0x14f: {  	s28 =	sadd.s32 s3, s2;
	s2 =	smulhi.u32 $0x431BDE83, s15;
	s19 =	spop (v2sf)  }
0x150: {  	s4 =	sadd.s32 s29, s12;
	s29 =	smulhi.u32 $0x431BDE83, s19;
	s3 =	sshra.s32 s19, $0x1F  }
0x151: {  	s16 =	sshrl.u32 s30, $0x1F;
	s15 =	sshra.s32 s15, $0x1F;
	s3 =	smul.u32 $0x431BDE83, s3  }
0x152: {  	v9 =	vmov s16;
	s11 =	sadd.s32 s14, s11;
	s14 =	sshrl.u32 s31, $0x1F;
	s12 =	smul.u32 $0x431BDE83, s15  }
0x153: {  	v7 =	vmov s8;
	v9 =	vsel vm0, s1, v9;
	s15 =	sshrl.u32 s28, $0x1F;
	s9 =	smulhi.u32 $0x431BDE83, s17;
	s29 =	sadd.s32 s3, s29  }
0x154: {  	v7 =	vsel vm0, s0, v7;
	v9 =	vsel vm1, s14, v9;
	s5 =	sadd.s32 s5, s18;
	s0 =	smulhi.u32 $0x431BDE83, s20;
	s18 =	sshra.s32 s29, $0x1F  }
0x155: {  	v9 =	vsel vm2, s15, v9;
	s15 =	sshra.s32 s31, $0x11;
	s2 =	sadd.s32 s12, s2;
	s19 =	sshra.s32 s4, $0x11;
	v6 =	vmov s18  }
0x156: {  	s12 =	sshra.s32 s17, $0x1F;
	s3 =	sshrl.u32 s4, $0x1F;
	s4 =	sshra.s32 s4, $0x1F;
	v6 =	vsel vm3, s19, v6  }
0x157: {  	s8 =	smul.u32 $0x431BDE83, s12;
	v8 =	vmov s3;
	s19 =	sshra.s32 s20, $0x1F;
	s20 =	sshra.s32 s11, $0x11;
	v6 =	vsel vm9, s4, v6  }
0x158: {  	v7 =	vsel vm1, s10, v7;
	s17 =	sshrl.u32 s11, $0x1F;
	v8 =	vnsel vm3, $0x0, v8;
	s3 =	smul.u32 $0x431BDE83, s19;
	s19 =	sshra.s32 s11, $0x1F;
	v6 =	vsel vm0, s20, v6  }
0x159: {  	v7 =	vsel vm2, s13, v7;
	s13 =	sshra.s32 s5, $0x11;
	s16 =	sshra.s32 s5, $0x1F;
	s12 =	sshrl.u32 s5, $0x1F;
	v8 =	vsel vm0, s17, v8;
	v6 =	vsel vm10, s19, v6  }
0x15a: {  	s8 =	sadd.s32 s8, s9;
	s9 =	sshra.s32 s30, $0x11;
	s18 =	sshrl.u32 s2, $0x1F;
	v8 =	vsel vm1, s12, v8;
	v6 =	vsel vm1, s13, v6  }
0x15b: {  	s20 =	smulhi.u32 $0x431BDE83, s6;
	s6 =	sshra.s32 s6, $0x1F;
	v8 =	vsel vm2, s18, v8;
	s18 =	sshra.s32 s2, $0x11;
	v6 =	vsel vm11, s16, v6  }
0x15c: {  	s5 =	sshra.s32 s8, $0x11;
	s2 =	sshra.s32 s2, $0x1F;
	s6 =	smul.u32 $0x431BDE83, s6;
	v6 =	vsel vm2, s18, v6  }
0x15d: {  	v7 =	vcombine.low v9, v7;
	s10 =	sshra.s32 s8, $0x1F;
	v10 =	vmov s9;
	s17 =	sshrl.u32 s8, $0x1F;
	s12 =	sshra.s32 s26, $0x11;
	v6 =	vsel vm12, s2, v6  }
0x15e: {  	v10 =	vsel vm0, s12, v10;
	s0 =	sadd.s32 s3, s0;
	v8 =	vsel vm4, s17, v8;
	s20 =	sadd.s32 s6, s20;
	s6 =	sshra.s32 s25, $0x11;
	v6 =	vsel vm4, s5, v6  }
0x15f: {  	s11 =	sshra.s32 s22, $0x11;
	v10 =	vsel vm1, s15, v10;
	s17 =	sshra.s32 s28, $0x11;
	s13 =	sshra.s32 s0, $0x11;
	v9 =	vmov s6;
	v6 =	vsel vm13, s10, v6  }
0x160: {  	s14 =	sshra.s32 s23, $0x11;
	s19 =	sshrl.u32 s0, $0x1F;
	s0 =	sshra.s32 s0, $0x1F;
	v10 =	vsel vm2, s17, v10;
	v9 =	vsel vm0, s11, v9;
	v6 =	vsel vm5, s13, v6  }
0x161: {  	v8 =	vsel vm5, s19, v8;
	s16 =	sshra.s32 s24, $0x11;
	s3 =	sshrl.u32 s20, $0x1F;
	s18 =	sshra.s32 s20, $0x11;
	v9 =	vsel vm1, s14, v9;
	v6 =	vsel vm14, s0, v6  }
0x162: {  	s19 =	sshrl.u32 s29, $0x1F;
	s20 =	sshra.s32 s20, $0x1F;
	v8 =	vsel vm6, s3, v8;
	v9 =	vsel vm2, s16, v9;
	v6 =	vsel vm6, s18, v6  }
0x163: {  	s22 =	sshra.s32 s29, $0x11;
	v8 =	vsel vm7, s19, v8;
	v9 =	vcombine.low v10, v9;
	v6 =	vsel vm15, s20, v6  }
0x164: {  	v7 =	vperm.xlane v7, v1;
	v8 =	vperm.xlane v8, v2;
	v6 =	vsel vm7, s22, v6  }
0x165: {  	v9 =	vperm.xlane v9, v1;
	v6 =	vperm.xlane v6, v2;
	_ =	sdelay $0x1  }
0x166: {  	v7 =	vsel vm8, v8, v7;
	v6 =	vsel vm8, v6, v9  }
0x167: {  	v6 =	vadd.s32 v7, v6  }
0x168: {  	v6 =	vmul.u32 $0x7A120, v6  }
0x169: {  	[tilespmem:$0x248] =	vst v3  }
0x16a: {  	[tilespmem:$0x2C8] =	vst v4;
	v3 =	vsub.s32 v5, v6  }
0x16b: {  	[tilespmem:$0x348] =	vst v3  }
0x16c: {  	v3 =	vld [tilespmem:s7+$0x58]  }
0x16d: {  	v4 =	vld [tilespmem:s7+$0x57]  }
0x16e: {  	v5 =	vld [tilespmem:s7+$0x56]  }
0x16f: {  	v6 =	vld [tilespmem:s7+$0x55];
	_ =	sdelay $0x2  }
0x170: {  	v4 =	vmul.u32 $0x1F, v4  }
0x171: {  	v5 =	vmul.u32 $0x3C1, v5  }
0x172: {  	v6 =	vmul.u32 $0x745F, v6;
	v3 =	vadd.s32 v3, v4  }
0x173: {  	v4 =	vadd.s32 v3, v5  }
0x174: {  	v5 =	vadd.s32 v4, v6  }
0x175: {  	(v2sf) =	vpush v5, $0xD;
	_ =	sdelay $0x1  }
0x176: {  	(v2sf) =	vpush v5, $0xC;
	_ =	sdelay $0x1  }
0x177: {  	(v2sf) =	vpush v5, $0xE;
	_ =	sdelay $0x1  }
0x178: {  	(v2sf) =	vpush v5, $0xF;
	_ =	sdelay $0x1  }
0x179: {  	(v2sf) =	vpush v5, $0x9;
	_ =	sdelay $0x1  }
0x17a: {  	(v2sf) =	vpush v5, $0x8;
	_ =	sdelay $0x1  }
0x17b: {  	(v2sf) =	vpush v5, $0xA;
	_ =	sdelay $0x1  }
0x17c: {  	(v2sf) =	vpush v5, $0xB  }
0x17d: {  	s23 =	spop (v2sf)  }
0x17e: {  	(v2sf) =	vpush v5, $0x0;
	s24 =	smulhi.u32 $0x431BDE83, s23;
	s0 =	sshra.s32 s23, $0x1F  }
0x17f: {  	(v2sf) =	vpush v5, $0x1;
	s25 =	spop (v2sf);
	s0 =	smul.u32 $0x431BDE83, s0  }
0x180: {  	(v2sf) =	vpush v5, $0x2;
	s26 =	smulhi.u32 $0x431BDE83, s25;
	s2 =	sshra.s32 s25, $0x1F  }
0x181: {  	s28 =	spop (v2sf);
	(v2sf) =	vpush v5, $0x3;
	s2 =	smul.u32 $0x431BDE83, s2  }
0x182: {  	s29 =	smulhi.u32 $0x431BDE83, s28;
	s4 =	sshra.s32 s28, $0x1F;
	(v2sf) =	vpush v5, $0x4  }
0x183: {  	s30 =	spop (v2sf);
	s4 =	smul.u32 $0x431BDE83, s4;
	(v2sf) =	vpush v5, $0x5  }
0x184: {  	s31 =	smulhi.u32 $0x431BDE83, s30;
	s6 =	sshra.s32 s30, $0x1F;
	(v2sf) =	vpush v5, $0x6  }
0x185: {  	s22 =	sadd.s32 s0, s24;
	s10 =	spop (v2sf);
	s6 =	smul.u32 $0x431BDE83, s6;
	(v2sf) =	vpush v5, $0x7  }
0x186: {  	s0 =	sshrl.u32 s22, $0x1F;
	s11 =	smulhi.u32 $0x431BDE83, s10;
	s12 =	sshra.s32 s10, $0x1F  }
0x187: {  	s25 =	sadd.s32 s2, s26;
	s13 =	spop (v2sf);
	s3 =	smul.u32 $0x431BDE83, s12  }
0x188: {  	s8 =	sshrl.u32 s25, $0x1F;
	s14 =	smulhi.u32 $0x431BDE83, s13;
	s15 =	sshra.s32 s13, $0x1F  }
0x189: {  	s23 =	sadd.s32 s4, s29;
	s16 =	spop (v2sf);
	s5 =	smul.u32 $0x431BDE83, s15  }
0x18a: {  	s24 =	sadd.s32 s6, s31;
	s6 =	smulhi.u32 $0x431BDE83, s16;
	s17 =	sshra.s32 s16, $0x1F  }
0x18b: {  	s10 =	sshrl.u32 s23, $0x1F;
	s18 =	spop (v2sf);
	s9 =	smul.u32 $0x431BDE83, s17  }
0x18c: {  	s13 =	sshrl.u32 s24, $0x1F;
	s2 =	smulhi.u32 $0x431BDE83, s18;
	s19 =	sshra.s32 s18, $0x1F  }
0x18d: {  	s26 =	sadd.s32 s3, s11;
	s20 =	spop (v2sf);
	s3 =	smul.u32 $0x431BDE83, s19  }
0x18e: {  	s12 =	smulhi.u32 $0x431BDE83, s20;
	s11 =	sshra.s32 s20, $0x1F;
	s28 =	spop (v2sf)  }
0x18f: {  	s30 =	sadd.s32 s5, s14;
	s29 =	smul.u32 $0x431BDE83, s11;
	s31 =	spop (v2sf)  }
0x190: {  	s11 =	smulhi.u32 $0x431BDE83, s28;
	s14 =	sshra.s32 s28, $0x1F;
	s15 =	spop (v2sf)  }
0x191: {  	s1 =	sshrl.u32 s26, $0x1F;
	s14 =	smul.u32 $0x431BDE83, s14;
	s17 =	spop (v2sf)  }
0x192: {  	s18 =	smulhi.u32 $0x431BDE83, s31;
	s5 =	sshra.s32 s31, $0x1F;
	s20 =	spop (v2sf)  }
0x193: {  	s31 =	sadd.s32 s9, s6;
	s5 =	smul.u32 $0x431BDE83, s5;
	s6 =	spop (v2sf)  }
0x194: {  	s28 =	sadd.s32 s3, s2;
	s2 =	smulhi.u32 $0x431BDE83, s15;
	s19 =	spop (v2sf)  }
0x195: {  	s4 =	sadd.s32 s29, s12;
	s29 =	smulhi.u32 $0x431BDE83, s19;
	s3 =	sshra.s32 s19, $0x1F  }
0x196: {  	s16 =	sshrl.u32 s30, $0x1F;
	s15 =	sshra.s32 s15, $0x1F;
	s3 =	smul.u32 $0x431BDE83, s3  }
0x197: {  	v9 =	vmov s16;
	s11 =	sadd.s32 s14, s11;
	s14 =	sshrl.u32 s31, $0x1F;
	s12 =	smul.u32 $0x431BDE83, s15  }
0x198: {  	v7 =	vmov s8;
	v9 =	vsel vm0, s1, v9;
	s15 =	sshrl.u32 s28, $0x1F;
	s9 =	smulhi.u32 $0x431BDE83, s17;
	s29 =	sadd.s32 s3, s29  }
0x199: {  	v7 =	vsel vm0, s0, v7;
	v9 =	vsel vm1, s14, v9;
	s5 =	sadd.s32 s5, s18;
	s0 =	smulhi.u32 $0x431BDE83, s20;
	s18 =	sshra.s32 s29, $0x1F  }
0x19a: {  	v9 =	vsel vm2, s15, v9;
	s15 =	sshra.s32 s31, $0x11;
	s2 =	sadd.s32 s12, s2;
	s19 =	sshra.s32 s4, $0x11;
	v6 =	vmov s18  }
0x19b: {  	s12 =	sshra.s32 s17, $0x1F;
	s3 =	sshrl.u32 s4, $0x1F;
	s4 =	sshra.s32 s4, $0x1F;
	v6 =	vsel vm3, s19, v6  }
0x19c: {  	s8 =	smul.u32 $0x431BDE83, s12;
	v8 =	vmov s3;
	s19 =	sshra.s32 s20, $0x1F;
	s20 =	sshra.s32 s11, $0x11;
	v6 =	vsel vm9, s4, v6  }
0x19d: {  	v7 =	vsel vm1, s10, v7;
	s17 =	sshrl.u32 s11, $0x1F;
	v8 =	vnsel vm3, $0x0, v8;
	s3 =	smul.u32 $0x431BDE83, s19;
	s19 =	sshra.s32 s11, $0x1F;
	v6 =	vsel vm0, s20, v6  }
0x19e: {  	v7 =	vsel vm2, s13, v7;
	s13 =	sshra.s32 s5, $0x11;
	s16 =	sshra.s32 s5, $0x1F;
	s12 =	sshrl.u32 s5, $0x1F;
	v8 =	vsel vm0, s17, v8;
	v6 =	vsel vm10, s19, v6  }
0x19f: {  	s8 =	sadd.s32 s8, s9;
	s9 =	sshra.s32 s30, $0x11;
	s18 =	sshrl.u32 s2, $0x1F;
	v8 =	vsel vm1, s12, v8;
	v6 =	vsel vm1, s13, v6  }
0x1a0: {  	s20 =	smulhi.u32 $0x431BDE83, s6;
	s6 =	sshra.s32 s6, $0x1F;
	v8 =	vsel vm2, s18, v8;
	s18 =	sshra.s32 s2, $0x11;
	v6 =	vsel vm11, s16, v6  }
0x1a1: {  	s5 =	sshra.s32 s8, $0x11;
	s2 =	sshra.s32 s2, $0x1F;
	s6 =	smul.u32 $0x431BDE83, s6;
	v6 =	vsel vm2, s18, v6  }
0x1a2: {  	v7 =	vcombine.low v9, v7;
	s10 =	sshra.s32 s8, $0x1F;
	v10 =	vmov s9;
	s17 =	sshrl.u32 s8, $0x1F;
	s12 =	sshra.s32 s26, $0x11;
	v6 =	vsel vm12, s2, v6  }
0x1a3: {  	v10 =	vsel vm0, s12, v10;
	s0 =	sadd.s32 s3, s0;
	v8 =	vsel vm4, s17, v8;
	s20 =	sadd.s32 s6, s20;
	s6 =	sshra.s32 s25, $0x11;
	v6 =	vsel vm4, s5, v6  }
0x1a4: {  	s11 =	sshra.s32 s22, $0x11;
	v10 =	vsel vm1, s15, v10;
	s17 =	sshra.s32 s28, $0x11;
	s13 =	sshra.s32 s0, $0x11;
	v9 =	vmov s6;
	v6 =	vsel vm13, s10, v6  }
0x1a5: {  	s14 =	sshra.s32 s23, $0x11;
	s19 =	sshrl.u32 s0, $0x1F;
	s0 =	sshra.s32 s0, $0x1F;
	v10 =	vsel vm2, s17, v10;
	v9 =	vsel vm0, s11, v9;
	v6 =	vsel vm5, s13, v6  }
0x1a6: {  	v8 =	vsel vm5, s19, v8;
	s16 =	sshra.s32 s24, $0x11;
	s3 =	sshrl.u32 s20, $0x1F;
	s18 =	sshra.s32 s20, $0x11;
	v9 =	vsel vm1, s14, v9;
	v6 =	vsel vm14, s0, v6  }
0x1a7: {  	s19 =	sshrl.u32 s29, $0x1F;
	s20 =	sshra.s32 s20, $0x1F;
	v8 =	vsel vm6, s3, v8;
	v9 =	vsel vm2, s16, v9;
	v6 =	vsel vm6, s18, v6  }
0x1a8: {  	s22 =	sshra.s32 s29, $0x11;
	v8 =	vsel vm7, s19, v8;
	v9 =	vcombine.low v10, v9;
	v6 =	vsel vm15, s20, v6  }
0x1a9: {  	v7 =	vperm.xlane v7, v1;
	v8 =	vperm.xlane v8, v2;
	v6 =	vsel vm7, s22, v6  }
0x1aa: {  	v9 =	vperm.xlane v9, v1;
	v6 =	vperm.xlane v6, v2;
	_ =	sdelay $0x1  }
0x1ab: {  	v7 =	vsel vm8, v8, v7;
	v6 =	vsel vm8, v6, v9  }
0x1ac: {  	v6 =	vadd.s32 v7, v6  }
0x1ad: {  	v6 =	vmul.u32 $0x7A120, v6  }
0x1ae: {  	[tilespmem:$0x258] =	vst v3  }
0x1af: {  	[tilespmem:$0x2D8] =	vst v4;
	v3 =	vsub.s32 v5, v6  }
0x1b0: {  	[tilespmem:$0x358] =	vst v3  }
0x1b1: {  	v3 =	vld [tilespmem:s7+$0x68]  }
0x1b2: {  	v4 =	vld [tilespmem:s7+$0x67]  }
0x1b3: {  	v5 =	vld [tilespmem:s7+$0x66]  }
0x1b4: {  	v6 =	vld [tilespmem:s7+$0x65];
	_ =	sdelay $0x2  }
0x1b5: {  	v4 =	vmul.u32 $0x1F, v4  }
0x1b6: {  	v5 =	vmul.u32 $0x3C1, v5  }
0x1b7: {  	v6 =	vmul.u32 $0x745F, v6;
	v3 =	vadd.s32 v3, v4  }
0x1b8: {  	v4 =	vadd.s32 v3, v5  }
0x1b9: {  	v5 =	vadd.s32 v4, v6  }
0x1ba: {  	(v2sf) =	vpush v5, $0xD;
	_ =	sdelay $0x1  }
0x1bb: {  	(v2sf) =	vpush v5, $0xC;
	_ =	sdelay $0x1  }
0x1bc: {  	(v2sf) =	vpush v5, $0xE;
	_ =	sdelay $0x1  }
0x1bd: {  	(v2sf) =	vpush v5, $0xF;
	_ =	sdelay $0x1  }
0x1be: {  	(v2sf) =	vpush v5, $0x9;
	_ =	sdelay $0x1  }
0x1bf: {  	(v2sf) =	vpush v5, $0x8;
	_ =	sdelay $0x1  }
0x1c0: {  	(v2sf) =	vpush v5, $0xA;
	_ =	sdelay $0x1  }
0x1c1: {  	(v2sf) =	vpush v5, $0xB  }
0x1c2: {  	s23 =	spop (v2sf)  }
0x1c3: {  	(v2sf) =	vpush v5, $0x0;
	s24 =	smulhi.u32 $0x431BDE83, s23;
	s0 =	sshra.s32 s23, $0x1F  }
0x1c4: {  	(v2sf) =	vpush v5, $0x1;
	s25 =	spop (v2sf);
	s0 =	smul.u32 $0x431BDE83, s0  }
0x1c5: {  	(v2sf) =	vpush v5, $0x2;
	s26 =	smulhi.u32 $0x431BDE83, s25;
	s2 =	sshra.s32 s25, $0x1F  }
0x1c6: {  	s28 =	spop (v2sf);
	(v2sf) =	vpush v5, $0x3;
	s2 =	smul.u32 $0x431BDE83, s2  }
0x1c7: {  	s29 =	smulhi.u32 $0x431BDE83, s28;
	s4 =	sshra.s32 s28, $0x1F;
	(v2sf) =	vpush v5, $0x4  }
0x1c8: {  	s30 =	spop (v2sf);
	s4 =	smul.u32 $0x431BDE83, s4;
	(v2sf) =	vpush v5, $0x5  }
0x1c9: {  	s31 =	smulhi.u32 $0x431BDE83, s30;
	s6 =	sshra.s32 s30, $0x1F;
	(v2sf) =	vpush v5, $0x6  }
0x1ca: {  	s22 =	sadd.s32 s0, s24;
	s10 =	spop (v2sf);
	s6 =	smul.u32 $0x431BDE83, s6;
	(v2sf) =	vpush v5, $0x7  }
0x1cb: {  	s0 =	sshrl.u32 s22, $0x1F;
	s11 =	smulhi.u32 $0x431BDE83, s10;
	s12 =	sshra.s32 s10, $0x1F  }
0x1cc: {  	s25 =	sadd.s32 s2, s26;
	s13 =	spop (v2sf);
	s3 =	smul.u32 $0x431BDE83, s12  }
0x1cd: {  	s8 =	sshrl.u32 s25, $0x1F;
	s14 =	smulhi.u32 $0x431BDE83, s13;
	s15 =	sshra.s32 s13, $0x1F  }
0x1ce: {  	s23 =	sadd.s32 s4, s29;
	s16 =	spop (v2sf);
	s5 =	smul.u32 $0x431BDE83, s15  }
0x1cf: {  	s24 =	sadd.s32 s6, s31;
	s6 =	smulhi.u32 $0x431BDE83, s16;
	s17 =	sshra.s32 s16, $0x1F  }
0x1d0: {  	s10 =	sshrl.u32 s23, $0x1F;
	s18 =	spop (v2sf);
	s9 =	smul.u32 $0x431BDE83, s17  }
0x1d1: {  	s13 =	sshrl.u32 s24, $0x1F;
	s2 =	smulhi.u32 $0x431BDE83, s18;
	s19 =	sshra.s32 s18, $0x1F  }
0x1d2: {  	s26 =	sadd.s32 s3, s11;
	s20 =	spop (v2sf);
	s3 =	smul.u32 $0x431BDE83, s19  }
0x1d3: {  	s12 =	smulhi.u32 $0x431BDE83, s20;
	s11 =	sshra.s32 s20, $0x1F;
	s28 =	spop (v2sf)  }
0x1d4: {  	s30 =	sadd.s32 s5, s14;
	s29 =	smul.u32 $0x431BDE83, s11;
	s31 =	spop (v2sf)  }
0x1d5: {  	s11 =	smulhi.u32 $0x431BDE83, s28;
	s14 =	sshra.s32 s28, $0x1F;
	s15 =	spop (v2sf)  }
0x1d6: {  	s1 =	sshrl.u32 s26, $0x1F;
	s14 =	smul.u32 $0x431BDE83, s14;
	s17 =	spop (v2sf)  }
0x1d7: {  	s16 =	sshrl.u32 s30, $0x1F;
	s18 =	smulhi.u32 $0x431BDE83, s31;
	s20 =	spop (v2sf)  }
0x1d8: {  	s5 =	sshra.s32 s31, $0x1F;
	s31 =	sadd.s32 s9, s6;
	s6 =	spop (v2sf)  }
0x1d9: {  	s28 =	sadd.s32 s3, s2;
	s5 =	smul.u32 $0x431BDE83, s5;
	s19 =	spop (v2sf)  }
0x1da: {  	s4 =	sadd.s32 s29, s12;
	s29 =	smulhi.u32 $0x431BDE83, s19;
	s3 =	sshra.s32 s19, $0x1F  }
0x1db: {  	v9 =	vmov s16;
	s16 =	sshra.s32 s30, $0x11;
	s11 =	sadd.s32 s14, s11;
	s3 =	smul.u32 $0x431BDE83, s3  }
0x1dc: {  	s2 =	smulhi.u32 $0x431BDE83, s15;
	s15 =	sshra.s32 s15, $0x1F;
	s14 =	sshrl.u32 s31, $0x1F  }
0x1dd: {  	s12 =	smul.u32 $0x431BDE83, s15;
	s15 =	sshrl.u32 s28, $0x1F;
	s29 =	sadd.s32 s3, s29  }
0x1de: {  	v7 =	vmov s8;
	s9 =	smulhi.u32 $0x431BDE83, s17;
	s5 =	sadd.s32 s5, s18;
	s18 =	sshra.s32 s29, $0x1F  }
0x1df: {  	v7 =	vsel vm0, s0, v7;
	s0 =	smulhi.u32 $0x431BDE83, s20;
	s2 =	sadd.s32 s12, s2;
	s19 =	sshra.s32 s4, $0x11;
	v6 =	vmov s18  }
0x1e0: {  	v9 =	vsel vm0, s1, v9;
	s12 =	sshra.s32 s17, $0x1F;
	s3 =	sshrl.u32 s4, $0x1F;
	s4 =	sshra.s32 s4, $0x1F;
	v6 =	vsel vm3, s19, v6  }
0x1e1: {  	v9 =	vsel vm1, s14, v9;
	s8 =	smul.u32 $0x431BDE83, s12;
	s19 =	sshra.s32 s20, $0x1F;
	s20 =	sshra.s32 s11, $0x11;
	v6 =	vsel vm9, s4, v6  }
0x1e2: {  	v9 =	vsel vm2, s15, v9;
	s15 =	sshra.s32 s25, $0x11;
	s17 =	sshrl.u32 s11, $0x1F;
	s18 =	sshra.s32 s11, $0x1F;
	v6 =	vsel vm0, s20, v6  }
0x1e3: {  	s12 =	sshrl.u32 s5, $0x1F;
	s8 =	sadd.s32 s8, s9;
	v8 =	vmov s3;
	s20 =	sshra.s32 s5, $0x11;
	v6 =	vsel vm10, s18, v6  }
0x1e4: {  	v7 =	vsel vm1, s10, v7;
	s9 =	sshra.s32 s2, $0x11;
	s14 =	sshra.s32 s8, $0x11;
	v8 =	vnsel vm3, $0x0, v8;
	s5 =	sshra.s32 s5, $0x1F;
	v6 =	vsel vm1, s20, v6  }
0x1e5: {  	v7 =	vsel vm2, s13, v7;
	v8 =	vsel vm0, s17, v8;
	s17 =	sshra.s32 s8, $0x1F;
	s4 =	sshrl.u32 s2, $0x1F;
	s3 =	smul.u32 $0x431BDE83, s19;
	v6 =	vsel vm11, s5, v6  }
0x1e6: {  	v10 =	vmov s16;
	s19 =	smulhi.u32 $0x431BDE83, s6;
	s6 =	sshra.s32 s6, $0x1F;
	v8 =	vsel vm1, s12, v8;
	s2 =	sshra.s32 s2, $0x1F;
	v6 =	vsel vm2, s9, v6  }
0x1e7: {  	v7 =	vcombine.low v9, v7;
	s6 =	smul.u32 $0x431BDE83, s6;
	v8 =	vsel vm2, s4, v8;
	s4 =	sshrl.u32 s8, $0x1F;
	s0 =	sadd.s32 s3, s0;
	v6 =	vsel vm12, s2, v6  }
0x1e8: {  	v9 =	vmov s15;
	v8 =	vsel vm4, s4, v8;
	s18 =	sshra.s32 s22, $0x11;
	s22 =	sshra.s32 s23, $0x11;
	s10 =	sshrl.u32 s0, $0x1F;
	v6 =	vsel vm4, s14, v6  }
0x1e9: {  	s12 =	sadd.s32 s6, s19;
	s19 =	sshra.s32 s26, $0x11;
	s20 =	sshra.s32 s0, $0x11;
	v9 =	vsel vm0, s18, v9;
	v8 =	vsel vm5, s10, v8;
	v6 =	vsel vm13, s17, v6  }
0x1ea: {  	s23 =	sshra.s32 s31, $0x11;
	s0 =	sshra.s32 s0, $0x1F;
	s13 =	sshrl.u32 s12, $0x1F;
	v10 =	vsel vm0, s19, v10;
	v9 =	vsel vm1, s22, v9;
	v6 =	vsel vm5, s20, v6  }
0x1eb: {  	s25 =	sshra.s32 s24, $0x11;
	s26 =	sshra.s32 s28, $0x11;
	s28 =	sshra.s32 s12, $0x11;
	v8 =	vsel vm6, s13, v8;
	v10 =	vsel vm1, s23, v10;
	v6 =	vsel vm14, s0, v6  }
0x1ec: {  	s30 =	sshrl.u32 s29, $0x1F;
	s31 =	sshra.s32 s12, $0x1F;
	v9 =	vsel vm2, s25, v9;
	v10 =	vsel vm2, s26, v10;
	v6 =	vsel vm6, s28, v6  }
0x1ed: {  	s1 =	sshra.s32 s29, $0x11;
	v8 =	vsel vm7, s30, v8;
	v9 =	vcombine.low v10, v9;
	v6 =	vsel vm15, s31, v6  }
0x1ee: {  	v7 =	vperm.xlane v7, v1;
	v8 =	vperm.xlane v8, v2;
	v6 =	vsel vm7, s1, v6  }
0x1ef: {  	v9 =	vperm.xlane v9, v1;
	v6 =	vperm.xlane v6, v2;
	_ =	sdelay $0x1  }
0x1f0: {  	v7 =	vsel vm8, v8, v7;
	v6 =	vsel vm8, v6, v9  }
0x1f1: {  	v6 =	vadd.s32 v7, v6  }
0x1f2: {  	v6 =	vmul.u32 $0x7A120, v6  }
0x1f3: {  	[tilespmem:$0x268] =	vst v3  }
0x1f4: {  	[tilespmem:$0x2E8] =	vst v4;
	v3 =	vsub.s32 v5, v6  }
0x1f5: {  	[tilespmem:$0x368] =	vst v3  }
0x1f6: {  	v3 =	vld [tilespmem:s7+$0x78]  }
0x1f7: {  	v4 =	vld [tilespmem:s7+$0x77]  }
0x1f8: {  	v5 =	vld [tilespmem:s7+$0x76]  }
0x1f9: {  	v6 =	vld [tilespmem:s7+$0x75];
	_ =	sdelay $0x2  }
0x1fa: {  	v4 =	vmul.u32 $0x1F, v4  }
0x1fb: {  	v5 =	vmul.u32 $0x3C1, v5  }
0x1fc: {  	v6 =	vmul.u32 $0x745F, v6;
	v3 =	vadd.s32 v3, v4  }
0x1fd: {  	v4 =	vadd.s32 v3, v5  }
0x1fe: {  	v5 =	vadd.s32 v4, v6  }
0x1ff: {  	(v2sf) =	vpush v5, $0xD;
	_ =	sdelay $0x1  }
0x200: {  	(v2sf) =	vpush v5, $0xC;
	_ =	sdelay $0x1  }
0x201: {  	(v2sf) =	vpush v5, $0xE;
	_ =	sdelay $0x1  }
0x202: {  	(v2sf) =	vpush v5, $0xF;
	_ =	sdelay $0x1  }
0x203: {  	(v2sf) =	vpush v5, $0x9;
	_ =	sdelay $0x1  }
0x204: {  	(v2sf) =	vpush v5, $0x8;
	_ =	sdelay $0x1  }
0x205: {  	(v2sf) =	vpush v5, $0xA;
	_ =	sdelay $0x1  }
0x206: {  	(v2sf) =	vpush v5, $0xB  }
0x207: {  	s2 =	spop (v2sf)  }
0x208: {  	(v2sf) =	vpush v5, $0x0;
	s3 =	smulhi.u32 $0x431BDE83, s2;
	s0 =	sshra.s32 s2, $0x1F  }
0x209: {  	s4 =	spop (v2sf);
	s0 =	smul.u32 $0x431BDE83, s0  }
0x20a: {  	(v2sf) =	vpush v5, $0x1;
	s5 =	smulhi.u32 $0x431BDE83, s4;
	s2 =	sshra.s32 s4, $0x1F  }
0x20b: {  	s6 =	spop (v2sf);
	s2 =	smul.u32 $0x431BDE83, s2  }
0x20c: {  	(v2sf) =	vpush v5, $0x2;
	s8 =	smulhi.u32 $0x431BDE83, s6;
	s4 =	sshra.s32 s6, $0x1F  }
0x20d: {  	s9 =	spop (v2sf);
	s4 =	smul.u32 $0x431BDE83, s4  }
0x20e: {  	(v2sf) =	vpush v5, $0x3;
	s10 =	smulhi.u32 $0x431BDE83, s9;
	s6 =	sshra.s32 s9, $0x1F  }
0x20f: {  	(v2sf) =	vpush v5, $0x4;
	s26 =	spop (v2sf);
	s6 =	smul.u32 $0x431BDE83, s6  }
0x210: {  	(v2sf) =	vpush v5, $0x5;
	s28 =	smulhi.u32 $0x431BDE83, s26;
	s9 =	sshra.s32 s26, $0x1F  }
0x211: {  	(v2sf) =	vpush v5, $0x6;
	s19 =	spop (v2sf);
	s9 =	smul.u32 $0x431BDE83, s9  }
0x212: {  	(v2sf) =	vpush v5, $0x7;
	s12 =	smulhi.u32 $0x431BDE83, s19;
	s11 =	sshra.s32 s19, $0x1F  }
0x213: {  	s20 =	spop (v2sf);
	s11 =	smul.u32 $0x431BDE83, s11  }
0x214: {  	s15 =	smulhi.u32 $0x431BDE83, s20;
	s13 =	sshra.s32 s20, $0x1F  }
0x215: {  	s22 =	spop (v2sf);
	s13 =	smul.u32 $0x431BDE83, s13  }
0x216: {  	s18 =	smulhi.u32 $0x431BDE83, s22;
	s14 =	sshra.s32 s22, $0x1F  }
0x217: {  	s30 =	sadd.s32 s2, s5;
	s23 =	spop (v2sf);
	s14 =	smul.u32 $0x431BDE83, s14  }
0x218: {  	s22 =	sadd.s32 s6, s10;
	s29 =	smulhi.u32 $0x431BDE83, s23;
	s16 =	sshra.s32 s23, $0x1F  }
0x219: {  	s28 =	sadd.s32 s9, s28;
	s24 =	spop (v2sf);
	s16 =	smul.u32 $0x431BDE83, s16  }
0x21a: {  	s23 =	sadd.s32 s0, s3;
	s0 =	smulhi.u32 $0x431BDE83, s24;
	s31 =	sshra.s32 s24, $0x1F  }
0x21b: {  	s24 =	sadd.s32 s4, s8;
	s1 =	smul.u32 $0x431BDE83, s31;
	s25 =	spop (v2sf)  }
0x21c: {  	s8 =	sshrl.u32 s23, $0x1F;
	s2 =	smulhi.u32 $0x431BDE83, s25;
	s5 =	sshra.s32 s25, $0x1F  }
0x21d: {  	s31 =	sadd.s32 s11, s12;
	s26 =	spop (v2sf);
	s3 =	smul.u32 $0x431BDE83, s5  }
0x21e: {  	s19 =	spop (v2sf);
	s9 =	smulhi.u32 $0x431BDE83, s26;
	s10 =	sshra.s32 s26, $0x1F  }
0x21f: {  	s26 =	sadd.s32 s13, s15;
	s17 =	spop (v2sf);
	s6 =	smul.u32 $0x431BDE83, s10  }
0x220: {  	s20 =	smulhi.u32 $0x431BDE83, s19;
	s13 =	sshra.s32 s19, $0x1F;
	s4 =	spop (v2sf)  }
0x221: {  	s25 =	sadd.s32 s14, s18;
	s10 =	smul.u32 $0x431BDE83, s13;
	s14 =	spop (v2sf)  }
0x222: {  	s12 =	sadd.s32 s16, s29;
	s15 =	smulhi.u32 $0x431BDE83, s14;
	s11 =	sshra.s32 s14, $0x1F  }
0x223: {  	s0 =	sadd.s32 s1, s0;
	s2 =	sadd.s32 s3, s2;
	s16 =	smul.u32 $0x431BDE83, s11  }
0x224: {  	s3 =	sshrl.u32 s22, $0x1F;
	s18 =	smulhi.u32 $0x431BDE83, s17;
	s19 =	sshra.s32 s17, $0x1F  }
0x225: {  	s13 =	sshrl.u32 s28, $0x1F;
	s17 =	sshrl.u32 s12, $0x1F;
	s29 =	sadd.s32 s16, s15  }
0x226: {  	s5 =	sadd.s32 s6, s9;
	s6 =	sadd.s32 s10, s20;
	s20 =	sshra.s32 s29, $0x1F  }
0x227: {  	s9 =	smul.u32 $0x431BDE83, s19;
	s19 =	sshra.s32 s0, $0x11;
	s15 =	sshra.s32 s12, $0x11;
	v6 =	vmov s20  }
0x228: {  	v8 =	vmov s17;
	s14 =	sshrl.u32 s30, $0x1F;
	s10 =	sshra.s32 s2, $0x11;
	s12 =	sshra.s32 s12, $0x1F;
	v6 =	vsel vm3, s15, v6  }
0x229: {  	v8 =	vnsel vm3, $0x0, v8;
	s11 =	sshrl.u32 s24, $0x1F;
	v7 =	vmov s14;
	s1 =	sadd.s32 s9, s18;
	s18 =	sshrl.u32 s0, $0x1F;
	v6 =	vsel vm9, s12, v6  }
0x22a: {  	s0 =	sshra.s32 s0, $0x1F;
	s14 =	sshrl.u32 s6, $0x1F;
	v7 =	vsel vm0, s8, v7;
	v8 =	vsel vm0, s18, v8;
	s16 =	sshrl.u32 s31, $0x1F;
	v6 =	vsel vm0, s19, v6  }
0x22b: {  	s8 =	sshrl.u32 s2, $0x1F;
	s2 =	sshra.s32 s2, $0x1F;
	v7 =	vsel vm1, s11, v7;
	s11 =	sshrl.u32 s26, $0x1F;
	v9 =	vmov s16;
	v6 =	vsel vm10, s0, v6  }
0x22c: {  	v8 =	vsel vm1, s8, v8;
	s8 =	sshra.s32 s31, $0x11;
	s20 =	smulhi.u32 $0x431BDE83, s4;
	s4 =	sshra.s32 s4, $0x1F;
	v9 =	vsel vm0, s13, v9;
	v6 =	vsel vm1, s10, v6  }
0x22d: {  	v7 =	vsel vm2, s3, v7;
	s16 =	sshrl.u32 s25, $0x1F;
	s4 =	smul.u32 $0x431BDE83, s4;
	s15 =	sshra.s32 s5, $0x11;
	v9 =	vsel vm1, s11, v9;
	v6 =	vsel vm11, s2, v6  }
0x22e: {  	s18 =	sshra.s32 s5, $0x1F;
	v11 =	vmov s8;
	s11 =	sshra.s32 s28, $0x11;
	s12 =	sshrl.u32 s5, $0x1F;
	v9 =	vsel vm2, s16, v9;
	v6 =	vsel vm2, s15, v6  }
0x22f: {  	v11 =	vsel vm0, s11, v11;
	v8 =	vsel vm2, s12, v8;
	s0 =	sadd.s32 s4, s20;
	s20 =	sshra.s32 s30, $0x11;
	s30 =	sshra.s32 s6, $0x11;
	v6 =	vsel vm12, s18, v6  }
0x230: {  	s9 =	sshra.s32 s6, $0x1F;
	s17 =	sshrl.u32 s1, $0x1F;
	v7 =	vcombine.low v9, v7;
	v8 =	vsel vm4, s14, v8;
	v6 =	vsel vm4, s30, v6  }
0x231: {  	s5 =	sshra.s32 s23, $0x11;
	s12 =	sshra.s32 s1, $0x11;
	s14 =	sshra.s32 s26, $0x11;
	v8 =	vsel vm5, s17, v8;
	v10 =	vmov s20;
	v6 =	vsel vm13, s9, v6  }
0x232: {  	s1 =	sshra.s32 s1, $0x1F;
	s19 =	sshrl.u32 s0, $0x1F;
	s10 =	sshra.s32 s24, $0x11;
	v11 =	vsel vm1, s14, v11;
	v10 =	vsel vm0, s5, v10;
	v6 =	vsel vm5, s12, v6  }
0x233: {  	s13 =	sshra.s32 s22, $0x11;
	s16 =	sshra.s32 s0, $0x11;
	v8 =	vsel vm6, s19, v8;
	v10 =	vsel vm1, s10, v10;
	s15 =	sshra.s32 s25, $0x11;
	v6 =	vsel vm14, s1, v6  }
0x234: {  	s17 =	sshrl.u32 s29, $0x1F;
	s0 =	sshra.s32 s0, $0x1F;
	v10 =	vsel vm2, s13, v10;
	v11 =	vsel vm2, s15, v11;
	v6 =	vsel vm6, s16, v6  }
0x235: {  	v8 =	vsel vm7, s17, v8;
	s18 =	sshra.s32 s29, $0x11;
	v9 =	vcombine.low v11, v10;
	v6 =	vsel vm15, s0, v6  }
0x236: {  	v7 =	vperm.xlane v7, v1;
	v8 =	vperm.xlane v8, v2;
	v6 =	vsel vm7, s18, v6  }
0x237: {  	v9 =	vperm.xlane v9, v1;
	v6 =	vperm.xlane v6, v2;
	_ =	sdelay $0x1  }
0x238: {  	v7 =	vsel vm8, v8, v7;
	v6 =	vsel vm8, v6, v9  }
0x239: {  	v6 =	vadd.s32 v7, v6  }
0x23a: {  	v6 =	vmul.u32 $0x7A120, v6  }
0x23b: {  	[tilespmem:$0x278] =	vst v3  }
0x23c: {  	[tilespmem:$0x2F8] =	vst v4;
	s31 =	simm.s32 $0x1;
	s22 =	simm.s32 $0x208;
	v3 =	vsub.s32 v5, v6  }
0x23d: {  	s23 =	simm.s32 $0x388;
	s20 =	simm.s32 $0x80;
	s19 =	rddreg [dreg:$0x3];
	[tilespmem:$0x378] =	vst v3  }
0x23e: {  	[tilespmem:s23], [sflag:$0x1] =	stream.indirect.gather [hbm4b:s19+s20], $0x40, s22, s20, $0xb8;
	[tilespmem:$0x8388] =	vst v63  }
0x23f: {  	s26 =	simm.s32 $0x2388;
	s24 =	rddreg [dreg:$0x4];
	s25 =	simm.s32 $0x288  }
0x240: {  	[tilespmem:s26], [sflag:$0x1] =	stream.indirect.gather [hbm4b:s24+s20], $0x40, s25, s20, $0xb8;
	[tilespmem:$0x8388] =	vst v63  }
0x241: {  	s28 =	rddreg [dreg:$0x5];
	s29 =	simm.s32 $0x308;
	s30 =	simm.s32 $0x4388  }
0x242: {  	[tilespmem:s30], [sflag:$0x1] =	stream.indirect.gather [hbm4b:s28+s20], $0x40, s29, s20, $0xb8;
	[tilespmem:$0x8388] =	vst v63  }
0x243: {  	_ =	swait.ge [sflag:s31], $0x2000  }
0x244: {  	[sflag:s31] =	ssyncset.done $0x0  }
0x245: {  	[sflag:s31] =	ssyncadd.s32 $0xFFFFE000  }
0x246: {  	_ =	swait.ge [sflag:s31], $0x2000  }
0x247: {  	[sflag:s31] =	ssyncset.done $0x0  }
0x248: {  	[sflag:s31] =	ssyncadd.s32 $0xFFFFE000  }
0x249: {  	_ =	swait.ge [sflag:s31], $0x2000  }
0x24a: {  	[sflag:s31] =	ssyncset.done $0x0  }
0x24b: {  	s22 =	simm.s32 $0x0;
	[sflag:s31] =	ssyncadd.s32 $0xFFFFE000  }
0x24c: {  	v3 =	vld [tilespmem:s22+$0x3B8]  }
0x24d: {  	v4 =	vld [tilespmem:s22+$0x23B8]  }
0x24e: {  	v9 =	vld [tilespmem:s22+$0x388]  }
0x24f: {  	v6 =	vld [tilespmem:s22+$0x43B8]  }
0x250: {  	v10 =	vld [tilespmem:s22+$0x2388]  }
0x251: {  	v11 =	vld [tilespmem:s22+$0x398]  }
0x252: {  	v12 =	vld [tilespmem:s22+$0x2398];
	v3 =	vadd.f32 v4, v3  }
0x253: {  	v5 =	vld [tilespmem:s22+$0x23A8]  }
0x254: {  	v4 =	vld [tilespmem:s22+$0x3A8];
	v3 =	vadd.f32 v6, v3  }
0x255: {  	v8 =	vld [tilespmem:s22+$0x4388]  }
0x256: {  	v6 =	vld [tilespmem:s22+$0x4398];
	v13 =	vmul.f32 $2.500000000e-01, v3  }
0x257: {  	s23 =	simm.s32 $0x40;
	v7 =	vld [tilespmem:s22+$0x43A8]  }
0x258: {  	s0 =	simm.s32 $0x200;
	v9 =	vadd.f32 v10, v9;
	v10 =	vadd.f32 v12, v11;
	v3 =	vld [tilespmem:s23+$0x3B8];
	[tilespmem:s22+$0x63B8] =	vst v13  }
.LBB2_2:
0x259: {  	p1 =	sne.s32 s0, $0x7F00;
	v11 =	vld [tilespmem:s23+$0x23B8];
	v4 =	vadd.f32 v5, v4  }
0x25a: {  	v12 =	vld [tilespmem:s23+$0x388];
	v5 =	vadd.f32 v8, v9  }
0x25b: {  	v8 =	vld [tilespmem:s23+$0x43B8];
	v6 =	vadd.f32 v6, v10  }
0x25c: {  	v9 =	vld [tilespmem:s23+$0x2388];
	v5 =	vmul.f32 $2.500000000e-01, v5;
	v4 =	vadd.f32 v7, v4  }
0x25d: {  	v7 =	vld [tilespmem:s23+$0x398];
	v6 =	vmul.f32 $2.500000000e-01, v6  }
0x25e: {  	v10 =	vld [tilespmem:s23+$0x2398];
	v3 =	vadd.f32 v11, v3;
	[tilespmem:s22+$0x6388] =	vst v5;
	v11 =	vmul.f32 $2.500000000e-01, v4  }
0x25f: {  	v4 =	vld [tilespmem:s23+$0x3A8];
	[tilespmem:s22+$0x6398] =	vst v6  }
.Ltmp0:
0x260: {  	v5 =	vld [tilespmem:s23+$0x23A8];
	v3 =	vadd.f32 v8, v3;
	[tilespmem:s22+$0x63A8] =	vst v11;
	s22 =	smov.u32 s23;
	(pc) =	sbr.rel @p1 .LBB2_2-.Ltmp0, $4  }
0x261: {  	v9 =	vadd.f32 v9, v12;
	v8 =	vld [tilespmem:s22+$0x4388]  }
0x262: {  	v6 =	vld [tilespmem:s22+$0x4398];
	v11 =	vmul.f32 $2.500000000e-01, v3  }
0x263: {  	s23 =	sshra.s32 s0, $0x2;
	v10 =	vadd.f32 v10, v7;
	v7 =	vld [tilespmem:s22+$0x43A8]  }
0x264: {  	s0 =	sadd.s32 $0x100, s0;
	v3 =	vld [tilespmem:s23+$0x3B8];
	[tilespmem:s22+$0x63B8] =	vst v11  }
0x265: {  	v11 =	vld [tilespmem:s23+$0x23B8]  }
0x266: {  	v12 =	vld [tilespmem:s23+$0x388];
	v4 =	vadd.f32 v5, v4;
	v8 =	vadd.f32 v8, v9  }
0x267: {  	v55 =	vld [tilespmem:s23+$0x43B8];
	v56 =	vadd.f32 v6, v10  }
0x268: {  	v13 =	vld [tilespmem:s23+$0x2388];
	v57 =	vmul.f32 $2.500000000e-01, v8;
	v4 =	vadd.f32 v7, v4  }
0x269: {  	v58 =	vld [tilespmem:s23+$0x398];
	v5 =	vmul.f32 $2.500000000e-01, v56  }
0x26a: {  	v59 =	vld [tilespmem:s23+$0x2398];
	[tilespmem:s22+$0x6388] =	vst v57;
	v4 =	vmul.f32 $2.500000000e-01, v4  }
0x26b: {  	v6 =	vld [tilespmem:s23+$0x3A8];
	[tilespmem:s22+$0x6398] =	vst v5  }
0x26c: {  	v5 =	vld [tilespmem:s23+$0x23A8];
	[tilespmem:s22+$0x63A8] =	vst v4  }
0x26d: {  	v4 =	vld [tilespmem:s23+$0x4388]  }
0x26e: {  	v60 =	vld [tilespmem:s23+$0x4398]  }
0x26f: {  	v3 =	vadd.f32 v11, v3;
	v61 =	vld [tilespmem:s23+$0x43A8]  }
0x270: {  	v12 =	vadd.f32 v13, v12  }
0x271: {  	v8 =	vadd.f32 v59, v58;
	v3 =	vadd.f32 v55, v3  }
0x272: {  	v5 =	vadd.f32 v5, v6;
	v4 =	vadd.f32 v4, v12  }
0x273: {  	v3 =	vmul.f32 $2.500000000e-01, v3;
	v62 =	vadd.f32 v60, v8  }
0x274: {  	v5 =	vadd.f32 v61, v5;
	v4 =	vmul.f32 $2.500000000e-01, v4  }
0x275: {  	[tilespmem:s23+$0x63B8] =	vst v3;
	v3 =	vmul.f32 $2.500000000e-01, v62  }
0x276: {  	v63 =	vmul.f32 $2.500000000e-01, v5;
	[tilespmem:s23+$0x6388] =	vst v4  }
0x277: {  	[tilespmem:s23+$0x6398] =	vst v3  }
0x278: {  	[tilespmem:s23+$0x63A8] =	vst v63  }
0x279: {  	v3 =	vld @!p0 [tilespmem:$0x408]  }
0x27a: {  	v4 =	vld @!p0 [tilespmem:$0x2408]  }
0x27b: {  	v5 =	vld @!p0 [tilespmem:$0x3C8]  }
0x27c: {  	v6 =	vld @!p0 [tilespmem:$0x418]  }
0x27d: {  	v7 =	vld @!p0 [tilespmem:$0x2418]  }
0x27e: {  	v8 =	vld @!p0 [tilespmem:$0x3D8]  }
0x27f: {  	v10 =	vld @!p0 [tilespmem:$0x2428];
	v3 =	vadd.f32 @!p0 v4, v3  }
0x280: {  	v9 =	vimm.f32 @!p0 $0.0e+00;
	v4 =	vld @!p0 [tilespmem:$0x428];
	v5 =	vmul.f32 @!p0 $2.500000000e-01, v5  }
0x281: {  	[tilespmem:$0x6388] =	vst @!p0 v9;
	v11 =	vld @!p0 [tilespmem:$0x3E8];
	v3 =	vmul.f32 @!p0 $2.500000000e-01, v3  }
0x282: {  	[tilespmem:$0x63C8] =	vst @!p0 v5;
	v5 =	vadd.f32 @!p0 v7, v6;
	v6 =	vld @!p0 [tilespmem:$0x438]  }
0x283: {  	v7 =	vld @!p0 [tilespmem:$0x2438];
	[tilespmem:$0x6408] =	vst @!p0 v3;
	v3 =	vmul.f32 @!p0 $2.500000000e-01, v8  }
0x284: {  	[tilespmem:$0x6398] =	vst @!p0 v9;
	v8 =	vld @!p0 [tilespmem:$0x3F8]  }
0x285: {  	[tilespmem:$0x63D8] =	vst @!p0 v3;
	v3 =	vadd.f32 @!p0 v10, v4  }
0x286: {  	[tilespmem:$0x63A8] =	vst @!p0 v9;
	v4 =	vmul.f32 @!p0 $2.500000000e-01, v11  }
0x287: {  	[tilespmem:$0x63B8] =	vst @!p0 v9;
	v3 =	vmul.f32 @!p0 $2.500000000e-01, v3  }
0x288: {  	v5 =	vmul.f32 @!p0 $2.500000000e-01, v5;
	[tilespmem:$0x63E8] =	vst @!p0 v4;
	v4 =	vadd.f32 @!p0 v7, v6  }
0x289: {  	[tilespmem:$0x6428] =	vst @!p0 v3;
	v3 =	vmul.f32 @!p0 $2.500000000e-01, v8  }
0x28a: {  	[tilespmem:$0x6418] =	vst @!p0 v5;
	v4 =	vmul.f32 @!p0 $2.500000000e-01, v4  }
0x28b: {  	s5 =	simm.s32 $0x0;
	[tilespmem:$0x63F8] =	vst @!p0 v3  }
0x28c: {  	s0 =	rddreg [dreg:$0x7];
	s1 =	simm.s32 $0x6388;
	s2 =	simm.s32 $0x2;
	[tilespmem:$0x6438] =	vst @!p0 v4  }
0x28d: {  	[hbm4b:s0+s5] =	stream.linear.scatter [tilespmem:s1], [sflag:$0x2], $0x2000, $0x38;
	[tilespmem:$0x8388] =	vst v63  }
0x28e: {  	_ =	swait.ge [sflag:s2], $0x2000  }
0x28f: {  	s21 =	sadd.s32 $0x1, s21;
	s31 =	rddreg [dreg:$0x8]  }
0x290: {  	p1 =	sne.s32 s21, s31  }
.Ltmp1:
0x291: {  	_ = 	snop;
	(pc) =	sbr.rel @p1 .LBB2_1-.Ltmp1, $3  }
0x292: {  	_ =	sdelay $0x1  }
0x293: {  	[sflag:s2] =	ssyncset.done $0x0  }
0x294: {  	[sflag:s2] =	ssyncadd.s32 $0xFFFFE000  }
0x295: {  	_ =	sfence.sel $0x180000  }
0x296: {  	[bflag:$0x0] =	sbarrier.arrive $0xFFFF  }
0x297: {  	_ =	strace $0x90000047  }
0x298: {  	s0 =	stileid.u32;
	[bflag:$0x2] =	sbarrier.arrive $0xFFFF  }
0x299: {  	p0 =	sne.s32 s0, $0x0;
	s0 =	rddreg [dreg:$0x2]  }
0x29a: {  	s0 =	sadd.s32 @!p0 $0x100000, s0  }
0x29b: {  	[sflag:s0] =	ssyncadd.tile.s32 @!p0 $0x1;
	_ =	shalt  }
.Lfunc_end2:
_tile_overlayer_lowered:
.L_overlay_start_2:
0x29c: {  	(tag) =	ssettag $0x2  }
0x29d: {  	s0 =	rddreg [dreg:$0x0];
	s2 =	stileid.u32  }
0x29e: {  	s1 =	rddreg [dreg:$0x1];
	p0 =	sne.s32 s2, $0x0  }
0x29f: {  	s3 =	rddreg [dreg:$0x2];
	[bflag:$0x3] =	sbarrier.arrive $0xFFFF;
	s2 =	simm.s32 @!p0 $0x1C02  }
0x2a0: {  	[timem:s3], [sflag:s2] =	dma.local @!p0 [hbm:s0], s1  }
0x2a1: {  	s0 =	simm.s32 @!p0 $0x2  }
0x2a2: {  	_ =	swait.ge @!p0 [sflag:s0], s1  }
0x2a3: {  	s1 =	ssub.s32 @!p0 $0x0, s1;
	[sflag:s0] =	ssyncset.done @!p0 $0x0  }
0x2a4: {  	[sflag:s0] =	ssyncadd.s32 @!p0 s1  }
0x2a5: {  	[bflag:$0x3] =	sbarrier.arrive $0xFFFF  }
0x2a6: {  	_ =	shalt  }

</sc_bundles>
